<compile_context>
chip_gen: v7x
topology: tpu7x:2x2x1
jax: 0.10.2.dev20260603
libtpu: 0.0.44.dev20260713+nightly
codegen_flags: <defaults>
</compile_context>

<pallas_src>
import functools

import jax
import jax.numpy as jnp
from jax import lax
from jax.experimental import pallas as pl
from jax.experimental.pallas import tpu as pltpu
from jax.experimental.pallas import tpu_sc as plsc

NC, NS, L = 2, 16, 16
NW = NC * NS
R, C = 512, 100000
RSC = 256
RTC = R - RSC
RPW = RSC // NW
HALF0 = 49920
HALF1 = C - HALF0
U = 5
STEPS0 = HALF0 // (L * U)
STEPS1 = HALF1 // (L * U)
BIG = 1 << 30

TCB = 32
CH = 1408
NCH = 71
CTAIL0 = C - 128


def _sc_body(x_hbm, tgt_hbm, m_hbm, s_hbm, mi_hbm, tgl_hbm, tv_hbm,
             buf0, buf1, tgtv, om, os_, omi, otgl, otv, sem0, sem1):
    wid = lax.axis_index("c") * NS + lax.axis_index("s")
    base = wid * RPW
    lane = lax.iota(jnp.int32, L)

    pltpu.sync_copy(tgt_hbm.at[pl.ds(0, RSC)], tgtv)
    pltpu.make_async_copy(
        x_hbm.at[base].at[pl.ds(0, HALF0)], buf0, sem0).start()

    def half_pass(buf, steps, carry):
        def body(i, c):
            ms, ss = c[:U], c[U:]
            ms2, ss2 = [], []
            for u in range(U):
                off = i * (L * U) + u * L
                v = buf[pl.ds(off, L)]
                ms2.append(jnp.maximum(ms[u], v))
                ss2.append(ss[u] + jnp.exp(v))
            return tuple(ms2) + tuple(ss2)
        return lax.fori_loop(0, steps, body, carry)

    def tgl_from(buf, t16, lo, size, tgl_prev):
        inb = (t16 >= lo) & (t16 < lo + size)
        lidx = jnp.clip(t16 - lo, 0, size - 1)
        g = plsc.load_gather(buf, [lidx])
        return jnp.where(inb, g, tgl_prev)

    def row_step(r, _):
        row = base + r
        pltpu.make_async_copy(
            x_hbm.at[row].at[pl.ds(0, HALF0)], buf0, sem0).wait()
        pltpu.make_async_copy(
            x_hbm.at[row].at[pl.ds(HALF0, HALF1)], buf1, sem1).start()
        t16 = plsc.load_gather(tgtv, [jnp.full((L,), row, jnp.int32)])

        init = tuple(jnp.full((L,), -jnp.inf, jnp.float32) for _ in range(U)) \
            + tuple(jnp.zeros((L,), jnp.float32) for _ in range(U))
        c0 = half_pass(buf0, STEPS0, init)
        tgl16 = tgl_from(buf0, t16, 0, HALF0, jnp.zeros((L,), jnp.float32))

        pltpu.make_async_copy(
            x_hbm.at[row].at[pl.ds(HALF0, HALF1)], buf1, sem1).wait()

        @pl.when(r < RPW - 1)
        def _():
            pltpu.make_async_copy(
                x_hbm.at[row + 1].at[pl.ds(0, HALF0)], buf0, sem0).start()

        c1 = half_pass(buf1, STEPS1, c0)
        tgl16 = tgl_from(buf1, t16, HALF0, HALF1, tgl16)

        ms, ss = c1[:U], c1[U:]
        m16 = ms[0]
        s16 = ss[0]
        for u in range(1, U):
            m16 = jnp.maximum(m16, ms[u])
            s16 = s16 + ss[u]

        ma = jnp.max(m16)
        tg = jnp.max(tgl16)

        def rare_scan():
            bm = jnp.full((L,), ma, jnp.float32)

            def eq_scan(buf, goff, steps, mi0):
                def rstep(i, mi):
                    for u in range(U):
                        off = i * (L * U) + u * L
                        v = buf[pl.ds(off, L)]
                        gidx = goff + off + lane
                        hit = (v == bm) & (mi == BIG)
                        mi = jnp.where(hit, gidx, mi)
                    return mi
                return lax.fori_loop(0, steps, rstep, mi0)

            @pl.when(r < RPW - 1)
            def _():
                pltpu.make_async_copy(
                    x_hbm.at[row + 1].at[pl.ds(0, HALF0)], buf0, sem0).wait()

            pltpu.sync_copy(x_hbm.at[row].at[pl.ds(0, HALF0)], buf0)
            mi16 = eq_scan(buf0, 0, STEPS0, jnp.full((L,), BIG, jnp.int32))
            mi16 = eq_scan(buf1, HALF0, STEPS1, mi16)

            @pl.when(r < RPW - 1)
            def _():
                pltpu.make_async_copy(
                    x_hbm.at[row + 1].at[pl.ds(0, HALF0)], buf0, sem0).start()

            return mi16

        mi16 = lax.cond(tg == ma, rare_scan,
                        lambda: jnp.full((L,), BIG, jnp.int32))

        om[pl.ds(r * L, L)] = m16
        os_[pl.ds(r * L, L)] = s16
        omi[pl.ds(r * L, L)] = mi16
        otgl[pl.ds(r * L, L)] = tgl16
        otv[pl.ds(r * L, L)] = t16
        return 0

    lax.fori_loop(0, RPW, row_step, 0)

    fb = base * L
    pltpu.sync_copy(om, m_hbm.at[pl.ds(fb, RPW * L)])
    pltpu.sync_copy(os_, s_hbm.at[pl.ds(fb, RPW * L)])
    pltpu.sync_copy(omi, mi_hbm.at[pl.ds(fb, RPW * L)])
    pltpu.sync_copy(otgl, tgl_hbm.at[pl.ds(fb, RPW * L)])
    pltpu.sync_copy(otv, tv_hbm.at[pl.ds(fb, RPW * L)])


_sc_call = functools.partial(
    pl.kernel,
    out_type=(jax.ShapeDtypeStruct((RSC * L,), jnp.float32),
              jax.ShapeDtypeStruct((RSC * L,), jnp.float32),
              jax.ShapeDtypeStruct((RSC * L,), jnp.int32),
              jax.ShapeDtypeStruct((RSC * L,), jnp.float32),
              jax.ShapeDtypeStruct((RSC * L,), jnp.int32)),
    mesh=plsc.VectorSubcoreMesh(
        core_axis_name="c", subcore_axis_name="s",
        num_cores=NC, num_subcores=NS),
    compiler_params=pltpu.CompilerParams(needs_layout_passes=False),
    scratch_types=[
        pltpu.VMEM((HALF0,), jnp.float32),
        pltpu.VMEM((HALF1,), jnp.float32),
        pltpu.VMEM((RSC,), jnp.int32),
        pltpu.VMEM((RPW * L,), jnp.float32),
        pltpu.VMEM((RPW * L,), jnp.float32),
        pltpu.VMEM((RPW * L,), jnp.int32),
        pltpu.VMEM((RPW * L,), jnp.float32),
        pltpu.VMEM((RPW * L,), jnp.int32),
        pltpu.SemaphoreType.DMA,
        pltpu.SemaphoreType.DMA,
    ],
)(_sc_body)


def _tc_body(tgt_ref, x_ref, o_ref):
    pid = pl.program_id(0)
    iota = lax.broadcasted_iota(jnp.int32, (TCB, 128), 1)

    def tree(op, xs):
        while len(xs) > 1:
            nxt = [op(xs[k], xs[k + 1]) for k in range(0, len(xs) - 1, 2)]
            if len(xs) % 2:
                nxt.append(xs[-1])
            xs = nxt
        return xs[0]

    def fold(base, width, m, s):
        v = x_ref[:, pl.ds(base, width)]
        vs = [v[:, k * 128:(k + 1) * 128] for k in range(width // 128)]
        m = jnp.maximum(m, tree(jnp.maximum, vs))
        s = s + tree(jnp.add, [jnp.exp(u) for u in vs])
        return m, s

    def chunk(i, carry):
        return fold(i * (2 * CH), 2 * CH, *carry)

    m, s = lax.fori_loop(
        0, NCH // 2, chunk,
        (jnp.full((TCB, 128), -jnp.inf, jnp.float32),
         jnp.zeros((TCB, 128), jnp.float32)))
    m, s = fold((NCH - 1) * CH, CH, m, s)

    v = x_ref[:, pl.ds(CTAIL0, 128)]
    live = iota >= 96
    s = s + jnp.where(live, jnp.exp(v), 0.0)
    m = jnp.maximum(m, jnp.where(live, v, -jnp.inf))

    mrow = jnp.max(m, axis=1, keepdims=True)
    srow = jnp.sum(s, axis=1, keepdims=True)

    tg_scalars = [tgt_ref[RSC + pid * TCB + r] for r in range(TCB)]
    lane1 = lax.broadcasted_iota(jnp.int32, (1, 128), 1)

    def _pick(r):
        t = tg_scalars[r]
        off = pl.multiple_of((t >> 7) << 7, 128)
        v = x_ref[pl.ds(r, 1), pl.ds(off, 128)]
        return jnp.sum(jnp.where(lane1 == (t & 127), v, 0.0),
                       axis=1, keepdims=True)

    tglv = jnp.concatenate([_pick(r) for r in range(TCB)], axis=0)
    trow = jnp.concatenate(
        [jnp.full((1, 1), t, jnp.int32) for t in tg_scalars], axis=0)

    anytie = jnp.any(tglv == mrow)

    def tie_scan():
        def body(i, mi):
            base = i * CH
            for j in range(11):
                v = x_ref[:, pl.ds(base + j * 128, 128)]
                colv = iota + (base + j * 128)
                hit = jnp.logical_and(v == mrow, colv < mi)
                mi = jnp.where(hit, colv, mi)
            return mi
        mi = lax.fori_loop(0, NCH, body,
                           jnp.full((TCB, 128), BIG, jnp.int32))
        v = x_ref[:, pl.ds(CTAIL0, 128)]
        colv = iota + CTAIL0
        hit = jnp.logical_and(jnp.logical_and(live, v == mrow), colv < mi)
        mi = jnp.where(hit, colv, mi)
        return jnp.min(mi, axis=1, keepdims=True)

    mirow = lax.cond(anytie, tie_scan,
                     lambda: jnp.full((TCB, 1), BIG, jnp.int32))

    correct = jnp.logical_and(tglv == mrow, mirow == trow)
    wrong = 1.0 - correct.astype(jnp.float32)
    bsum = jnp.sum((jnp.log(srow) - tglv) * wrong)

    @pl.when(pid == 0)
    def _():
        o_ref[0, 0] = 0.0
    o_ref[0, 0] += bsum


_tc_partial = pl.pallas_call(
    _tc_body,
    grid_spec=pltpu.PrefetchScalarGridSpec(
        num_scalar_prefetch=1,
        grid=(RTC // TCB,),
        in_specs=[pl.BlockSpec((TCB, C), lambda i, *_: (RSC // TCB + i, 0))],
        out_specs=pl.BlockSpec(memory_space=pltpu.SMEM),
    ),
    out_shape=jax.ShapeDtypeStruct((1, 1), jnp.float32),
)


def _combine_body(m_ref, s_ref, mi_ref, tgl_ref, tv_ref, tc_ref, o_ref):
    m = m_ref[...]
    mrow = jnp.max(m, axis=1, keepdims=True)
    srow = jnp.sum(s_ref[...], axis=1, keepdims=True)
    mifirst = jnp.min(mi_ref[...], axis=1, keepdims=True)
    tgl = tgl_ref[:, 0:1]
    tv = tv_ref[:, 0:1]
    correct = jnp.logical_and(tgl == mrow, mifirst == tv)
    wrong = 1.0 - correct.astype(jnp.float32)
    loss = (jnp.log(srow) - tgl) * wrong
    o_ref[0, 0] = (jnp.sum(loss) + tc_ref[0, 0]) / jnp.float32(R)


_combine = pl.pallas_call(
    _combine_body,
    out_shape=jax.ShapeDtypeStruct((1, 1), jnp.float32),
    in_specs=[pl.BlockSpec(memory_space=pltpu.VMEM)] * 5
    + [pl.BlockSpec(memory_space=pltpu.SMEM)],
    out_specs=pl.BlockSpec(memory_space=pltpu.SMEM),
)


def kernel(output, target):
    x = output.reshape(R, C)
    t = target.reshape(R).astype(jnp.int32)
    m, s, mi, tgl, tv = _sc_call(x, t)
    tc_sum = _tc_partial(t, x)
    return _combine(m.reshape(RSC, L), s.reshape(RSC, L),
                    mi.reshape(RSC, L), tgl.reshape(RSC, L),
                    tv.reshape(RSC, L), tc_sum).reshape(())

# --- scband reference (transcript-rebuilt; emitter-appended) ---
"""Pipeline reference for scband-topk-loss-15968688407351 (READ-ONLY COPY).

The authoritative reference and input builder live on the scoring server;
editing this copy changes nothing except your own understanding.
"""

import jax, jax.numpy as jnp
import numpy as np

K = 1

def setup_inputs(seed: int = 0) -> dict:
    key = jax.random.key(seed)
    k1, k2 = jax.random.split(key)
    output = jax.random.normal(k1, (32, 16, 100000), dtype=jnp.float32)
    target = jax.random.randint(k2, (32, 16), 0, 100000, dtype=jnp.int64)
    return {"output": output, "target": target}

def reference(output, target):
    B, T, C = output.shape
    out_flat = output.reshape(B * T, C)
    tgt_flat = target.reshape(-1)
    # top-k indices over logits
    _, topk_idx = jax.lax.top_k(out_flat, K)
    correct = jnp.any(topk_idx == tgt_flat[:, None], axis=1)
    # cross entropy, reduction='none'
    logZ = jax.nn.logsumexp(out_flat, axis=1)
    tgt_logit = jnp.take_along_axis(out_flat, tgt_flat[:, None], axis=1)[:, 0]
    loss = logZ - tgt_logit
    masked_loss = loss * (~correct).astype(loss.dtype)
    return masked_loss.mean()

if __name__ == "__main__":
    import jax
    _d = setup_inputs()
    print(jax.jit(kernel)(*tuple(_d.values())))

</pallas_src>

<mosaic_0001>
#map = affine_map<(d0, d1) -> (0, 0)>
#map1 = affine_map<(d0, d1) -> (0)>
module attributes {stable_mosaic.version = 14 : i64} {
  func.func @_sc_body(%arg0: i32, %arg1: i32, %arg2: memref<512x100000xf32, #tpu.memory_space<hbm>>, %arg3: memref<512xi32, #tpu.memory_space<hbm>>, %arg4: memref<4096xf32, #tpu.memory_space<hbm>>, %arg5: memref<4096xf32, #tpu.memory_space<hbm>>, %arg6: memref<4096xi32, #tpu.memory_space<hbm>>, %arg7: memref<4096xf32, #tpu.memory_space<hbm>>, %arg8: memref<4096xi32, #tpu.memory_space<hbm>>, %arg9: memref<49920xf32, #tpu.memory_space<vmem>>, %arg10: memref<50080xf32, #tpu.memory_space<vmem>>, %arg11: memref<256xi32, #tpu.memory_space<vmem>>, %arg12: memref<128xf32, #tpu.memory_space<vmem>>, %arg13: memref<128xf32, #tpu.memory_space<vmem>>, %arg14: memref<128xi32, #tpu.memory_space<vmem>>, %arg15: memref<128xf32, #tpu.memory_space<vmem>>, %arg16: memref<128xi32, #tpu.memory_space<vmem>>, %arg17: memref<!tpu.dma_semaphore, #tpu.memory_space<semaphore_mem>>, %arg18: memref<!tpu.dma_semaphore, #tpu.memory_space<semaphore_mem>>) attributes {dimension_semantics = [#tpu.dimension_semantics<core_parallel>, #tpu.dimension_semantics<subcore_parallel>], iteration_bounds = array<i64: 2, 16>, scalar_prefetch = 0 : i64, scratch_operands = 10 : i64, tpu.core_type = #tpu.core_type<sc_vector_subcore>, window_params = [{transform_indices = #map}, {transform_indices = #map1}, {transform_indices = #map1}, {transform_indices = #map1}, {transform_indices = #map1}, {transform_indices = #map1}, {transform_indices = #map1}]} {
    %mul3A = arith.constant 16 : i32
    %mul3A_0 = arith.muli %arg0, %mul3A : i32
    %add3A = arith.addi %mul3A_0, %arg1 : i32
    %mul3A_1 = arith.constant 8 : i32
    %mul3A_2 = arith.muli %add3A, %mul3A_1 : i32
    %iota3A = tpu.iota {dimensions = array<i32: 0>} : vector<16xi32>
    "tpu.region"() ({
      %run_scoped3A = tpu.sem_alloc : memref<!tpu.dma_semaphore, #tpu.memory_space<semaphore_mem>>
      %dma_start3A_20 = arith.constant 0 : i32
      %dma_start3A_21 = tpu.memref_slice %arg3[%dma_start3A_20] : memref<512xi32, #tpu.memory_space<hbm>> -> memref<256xi32, #tpu.memory_space<hbm>>
      %dma_start3A_22 = arith.constant 0 : i32
      %dma_start3A_23 = tpu.memref_slice %arg3[%dma_start3A_22] : memref<512xi32, #tpu.memory_space<hbm>> -> memref<256xi32, #tpu.memory_space<hbm>>
      tpu.enqueue_dma source(%dma_start3A_23 : memref<256xi32, #tpu.memory_space<hbm>>) target(%arg11 : memref<256xi32, #tpu.memory_space<vmem>>) target_semaphore(%run_scoped3A : memref<!tpu.dma_semaphore, #tpu.memory_space<semaphore_mem>>)
      %dma_wait3A = arith.constant 0 : i32
      %dma_wait3A_24 = tpu.memref_slice %arg3[%dma_wait3A] : memref<512xi32, #tpu.memory_space<hbm>> -> memref<256xi32, #tpu.memory_space<hbm>>
      %dma_wait3A_25 = arith.constant 0 : i32
      %dma_wait3A_26 = tpu.memref_slice %arg3[%dma_wait3A_25] : memref<512xi32, #tpu.memory_space<hbm>> -> memref<256xi32, #tpu.memory_space<hbm>>
      tpu.wait_dma2 semaphore(%run_scoped3A : memref<!tpu.dma_semaphore, #tpu.memory_space<semaphore_mem>>) src(%dma_wait3A_26 : memref<256xi32, #tpu.memory_space<hbm>>) dst(%arg11 : memref<256xi32, #tpu.memory_space<vmem>>)
      tpu.yield
    }) : () -> ()
    %dma_start3A = arith.constant 0 : i32
    %dma_start3A_3 = tpu.memref_slice %arg2[%mul3A_2, %dma_start3A] : memref<512x100000xf32, #tpu.memory_space<hbm>> -> memref<1x100000xf32, #tpu.memory_space<hbm>>
    %dma_start3A_4 = tpu.memref_squeeze %dma_start3A_3 : memref<1x100000xf32, #tpu.memory_space<hbm>> -> memref<100000xf32, #tpu.memory_space<hbm>>
    %dma_start3A_5 = arith.constant 0 : i32
    %dma_start3A_6 = tpu.memref_slice %dma_start3A_4[%dma_start3A_5] : memref<100000xf32, #tpu.memory_space<hbm>> -> memref<49920xf32, #tpu.memory_space<hbm>>
    %dma_start3A_7 = arith.constant 0 : i32
    %dma_start3A_8 = tpu.memref_slice %arg2[%mul3A_2, %dma_start3A_7] : memref<512x100000xf32, #tpu.memory_space<hbm>> -> memref<1x100000xf32, #tpu.memory_space<hbm>>
    %dma_start3A_9 = tpu.memref_squeeze %dma_start3A_8 : memref<1x100000xf32, #tpu.memory_space<hbm>> -> memref<100000xf32, #tpu.memory_space<hbm>>
    %dma_start3A_10 = arith.constant 0 : i32
    %dma_start3A_11 = tpu.memref_slice %dma_start3A_9[%dma_start3A_10] : memref<100000xf32, #tpu.memory_space<hbm>> -> memref<49920xf32, #tpu.memory_space<hbm>>
    tpu.enqueue_dma source(%dma_start3A_11 : memref<49920xf32, #tpu.memory_space<hbm>>) target(%arg9 : memref<49920xf32, #tpu.memory_space<vmem>>) target_semaphore(%arg17 : memref<!tpu.dma_semaphore, #tpu.memory_space<semaphore_mem>>)
    %scan3A = arith.constant 0 : i32
    %scan3A_12 = arith.constant 0 : i32
    %scan3A_13 = arith.constant 8 : i32
    %scan3A_14 = arith.addi %scan3A_12, %scan3A_13 : i32
    %scan3A_15 = arith.constant 1 : i32
    %scan3A_16 = scf.for %scan3A_20 = %scan3A_12 to %scan3A_14 step %scan3A_15 iter_args(%scan3A_21 = %scan3A) -> (i32)  : i32 {
      %add3A_22 = arith.addi %mul3A_2, %scan3A_20 : i32
      %dma_wait3A = arith.constant 0 : i32
      %dma_wait3A_23 = tpu.memref_slice %arg2[%add3A_22, %dma_wait3A] : memref<512x100000xf32, #tpu.memory_space<hbm>> -> memref<1x100000xf32, #tpu.memory_space<hbm>>
      %dma_wait3A_24 = tpu.memref_squeeze %dma_wait3A_23 : memref<1x100000xf32, #tpu.memory_space<hbm>> -> memref<100000xf32, #tpu.memory_space<hbm>>
      %dma_wait3A_25 = arith.constant 0 : i32
      %dma_wait3A_26 = tpu.memref_slice %dma_wait3A_24[%dma_wait3A_25] : memref<100000xf32, #tpu.memory_space<hbm>> -> memref<49920xf32, #tpu.memory_space<hbm>>
      %dma_wait3A_27 = arith.constant 0 : i32
      %dma_wait3A_28 = tpu.memref_slice %arg2[%add3A_22, %dma_wait3A_27] : memref<512x100000xf32, #tpu.memory_space<hbm>> -> memref<1x100000xf32, #tpu.memory_space<hbm>>
      %dma_wait3A_29 = tpu.memref_squeeze %dma_wait3A_28 : memref<1x100000xf32, #tpu.memory_space<hbm>> -> memref<100000xf32, #tpu.memory_space<hbm>>
      %dma_wait3A_30 = arith.constant 0 : i32
      %dma_wait3A_31 = tpu.memref_slice %dma_wait3A_29[%dma_wait3A_30] : memref<100000xf32, #tpu.memory_space<hbm>> -> memref<49920xf32, #tpu.memory_space<hbm>>
      tpu.wait_dma2 semaphore(%arg17 : memref<!tpu.dma_semaphore, #tpu.memory_space<semaphore_mem>>) src(%dma_wait3A_31 : memref<49920xf32, #tpu.memory_space<hbm>>) dst(%arg9 : memref<49920xf32, #tpu.memory_space<vmem>>)
      %dma_start3A_32 = arith.constant 0 : i32
      %dma_start3A_33 = tpu.memref_slice %arg2[%add3A_22, %dma_start3A_32] : memref<512x100000xf32, #tpu.memory_space<hbm>> -> memref<1x100000xf32, #tpu.memory_space<hbm>>
      %dma_start3A_34 = tpu.memref_squeeze %dma_start3A_33 : memref<1x100000xf32, #tpu.memory_space<hbm>> -> memref<100000xf32, #tpu.memory_space<hbm>>
      %dma_start3A_35 = arith.constant 49920 : i32
      %dma_start3A_36 = tpu.memref_slice %dma_start3A_34[%dma_start3A_35] : memref<100000xf32, #tpu.memory_space<hbm>> -> memref<50080xf32, #tpu.memory_space<hbm>>
      %dma_start3A_37 = arith.constant 0 : i32
      %dma_start3A_38 = tpu.memref_slice %arg2[%add3A_22, %dma_start3A_37] : memref<512x100000xf32, #tpu.memory_space<hbm>> -> memref<1x100000xf32, #tpu.memory_space<hbm>>
      %dma_start3A_39 = tpu.memref_squeeze %dma_start3A_38 : memref<1x100000xf32, #tpu.memory_space<hbm>> -> memref<100000xf32, #tpu.memory_space<hbm>>
      %dma_start3A_40 = arith.constant 49920 : i32
      %dma_start3A_41 = tpu.memref_slice %dma_start3A_39[%dma_start3A_40] : memref<100000xf32, #tpu.memory_space<hbm>> -> memref<50080xf32, #tpu.memory_space<hbm>>
      tpu.enqueue_dma source(%dma_start3A_41 : memref<50080xf32, #tpu.memory_space<hbm>>) target(%arg10 : memref<50080xf32, #tpu.memory_space<vmem>>) target_semaphore(%arg18 : memref<!tpu.dma_semaphore, #tpu.memory_space<semaphore_mem>>)
      %broadcast_in_dim3A = vector.broadcast %add3A_22 : i32 to vector<16xi32>
      %gather3A = tpu.vector_load_idx %arg11[%broadcast_in_dim3A] : memref<256xi32, #tpu.memory_space<vmem>>[vector<16xi32>], vector<16xi32>,
      %broadcast_in_dim3A_42 = arith.constant 0xFF800000 : f32
      %broadcast_in_dim3A_43 = vector.broadcast %broadcast_in_dim3A_42 : f32 to vector<16xf32>
      %broadcast_in_dim3A_44 = arith.constant 0xFF800000 : f32
      %broadcast_in_dim3A_45 = vector.broadcast %broadcast_in_dim3A_44 : f32 to vector<16xf32>
      %broadcast_in_dim3A_46 = arith.constant 0xFF800000 : f32
      %broadcast_in_dim3A_47 = vector.broadcast %broadcast_in_dim3A_46 : f32 to vector<16xf32>
      %broadcast_in_dim3A_48 = arith.constant 0xFF800000 : f32
      %broadcast_in_dim3A_49 = vector.broadcast %broadcast_in_dim3A_48 : f32 to vector<16xf32>
      %broadcast_in_dim3A_50 = arith.constant 0xFF800000 : f32
      %broadcast_in_dim3A_51 = vector.broadcast %broadcast_in_dim3A_50 : f32 to vector<16xf32>
      %broadcast_in_dim3A_52 = arith.constant 0.000000e+00 : f32
      %broadcast_in_dim3A_53 = vector.broadcast %broadcast_in_dim3A_52 : f32 to vector<16xf32>
      %broadcast_in_dim3A_54 = arith.constant 0.000000e+00 : f32
      %broadcast_in_dim3A_55 = vector.broadcast %broadcast_in_dim3A_54 : f32 to vector<16xf32>
      %broadcast_in_dim3A_56 = arith.constant 0.000000e+00 : f32
      %broadcast_in_dim3A_57 = vector.broadcast %broadcast_in_dim3A_56 : f32 to vector<16xf32>
      %broadcast_in_dim3A_58 = arith.constant 0.000000e+00 : f32
      %broadcast_in_dim3A_59 = vector.broadcast %broadcast_in_dim3A_58 : f32 to vector<16xf32>
      %broadcast_in_dim3A_60 = arith.constant 0.000000e+00 : f32
      %broadcast_in_dim3A_61 = vector.broadcast %broadcast_in_dim3A_60 : f32 to vector<16xf32>
      %scan3A_62 = arith.constant 0 : i32
      %scan3A_63 = arith.constant 624 : i32
      %scan3A_64 = arith.addi %scan3A_62, %scan3A_63 : i32
      %scan3A_65 = arith.constant 1 : i32
      %scan3A_66:10 = scf.for %scan3A_156 = %scan3A_62 to %scan3A_64 step %scan3A_65 iter_args(%scan3A_157 = %broadcast_in_dim3A_43, %scan3A_158 = %broadcast_in_dim3A_45, %scan3A_159 = %broadcast_in_dim3A_47, %scan3A_160 = %broadcast_in_dim3A_49, %scan3A_161 = %broadcast_in_dim3A_51, %scan3A_162 = %broadcast_in_dim3A_53, %scan3A_163 = %broadcast_in_dim3A_55, %scan3A_164 = %broadcast_in_dim3A_57, %scan3A_165 = %broadcast_in_dim3A_59, %scan3A_166 = %broadcast_in_dim3A_61) -> (vector<16xf32>, vector<16xf32>, vector<16xf32>, vector<16xf32>, vector<16xf32>, vector<16xf32>, vector<16xf32>, vector<16xf32>, vector<16xf32>, vector<16xf32>)  : i32 {
        %mul3A_167 = arith.constant 80 : i32
        %mul3A_168 = arith.muli %scan3A_156, %mul3A_167 : i32
        %add3A_169 = arith.constant 0 : i32
        %add3A_170 = arith.addi %mul3A_168, %add3A_169 : i32
        %get3A = arith.index_cast %add3A_170 : i32 to index
        %get3A_171 = tpu.vector_load %arg9[%get3A] {strides = array<i32>} : memref<49920xf32, #tpu.memory_space<vmem>>, vector<16xf32>,
        %max3A_172 = arith.maximumf %scan3A_157, %get3A_171 : vector<16xf32>
        %exp3A = math.exp %get3A_171 : vector<16xf32>
        %add3A_173 = arith.addf %scan3A_162, %exp3A : vector<16xf32>
        %mul3A_174 = arith.constant 80 : i32
        %mul3A_175 = arith.muli %scan3A_156, %mul3A_174 : i32
        %add3A_176 = arith.constant 16 : i32
        %add3A_177 = arith.addi %mul3A_175, %add3A_176 : i32
        %get3A_178 = arith.index_cast %add3A_177 : i32 to index
        %get3A_179 = tpu.vector_load %arg9[%get3A_178] {strides = array<i32>} : memref<49920xf32, #tpu.memory_space<vmem>>, vector<16xf32>,
        %max3A_180 = arith.maximumf %scan3A_158, %get3A_179 : vector<16xf32>
        %exp3A_181 = math.exp %get3A_179 : vector<16xf32>
        %add3A_182 = arith.addf %scan3A_163, %exp3A_181 : vector<16xf32>
        %mul3A_183 = arith.constant 80 : i32
        %mul3A_184 = arith.muli %scan3A_156, %mul3A_183 : i32
        %add3A_185 = arith.constant 32 : i32
        %add3A_186 = arith.addi %mul3A_184, %add3A_185 : i32
        %get3A_187 = arith.index_cast %add3A_186 : i32 to index
        %get3A_188 = tpu.vector_load %arg9[%get3A_187] {strides = array<i32>} : memref<49920xf32, #tpu.memory_space<vmem>>, vector<16xf32>,
        %max3A_189 = arith.maximumf %scan3A_159, %get3A_188 : vector<16xf32>
        %exp3A_190 = math.exp %get3A_188 : vector<16xf32>
        %add3A_191 = arith.addf %scan3A_164, %exp3A_190 : vector<16xf32>
        %mul3A_192 = arith.constant 80 : i32
        %mul3A_193 = arith.muli %scan3A_156, %mul3A_192 : i32
        %add3A_194 = arith.constant 48 : i32
        %add3A_195 = arith.addi %mul3A_193, %add3A_194 : i32
        %get3A_196 = arith.index_cast %add3A_195 : i32 to index
        %get3A_197 = tpu.vector_load %arg9[%get3A_196] {strides = array<i32>} : memref<49920xf32, #tpu.memory_space<vmem>>, vector<16xf32>,
        %max3A_198 = arith.maximumf %scan3A_160, %get3A_197 : vector<16xf32>
        %exp3A_199 = math.exp %get3A_197 : vector<16xf32>
        %add3A_200 = arith.addf %scan3A_165, %exp3A_199 : vector<16xf32>
        %mul3A_201 = arith.constant 80 : i32
        %mul3A_202 = arith.muli %scan3A_156, %mul3A_201 : i32
        %add3A_203 = arith.constant 64 : i32
        %add3A_204 = arith.addi %mul3A_202, %add3A_203 : i32
        %get3A_205 = arith.index_cast %add3A_204 : i32 to index
        %get3A_206 = tpu.vector_load %arg9[%get3A_205] {strides = array<i32>} : memref<49920xf32, #tpu.memory_space<vmem>>, vector<16xf32>,
        %max3A_207 = arith.maximumf %scan3A_161, %get3A_206 : vector<16xf32>
        %exp3A_208 = math.exp %get3A_206 : vector<16xf32>
        %add3A_209 = arith.addf %scan3A_166, %exp3A_208 : vector<16xf32>
        scf.yield %max3A_172, %max3A_180, %max3A_189, %max3A_198, %max3A_207, %add3A_173, %add3A_182, %add3A_191, %add3A_200, %add3A_209 : vector<16xf32>, vector<16xf32>, vector<16xf32>, vector<16xf32>, vector<16xf32>, vector<16xf32>, vector<16xf32>, vector<16xf32>, vector<16xf32>, vector<16xf32>
      }
      %scan3A_67 = arith.constant 624 : i32
      %broadcast_in_dim3A_68 = arith.constant 0.000000e+00 : f32
      %broadcast_in_dim3A_69 = vector.broadcast %broadcast_in_dim3A_68 : f32 to vector<16xf32>
      %ge3A = arith.constant 0 : i32
      %ge3A_70 = vector.broadcast %ge3A : i32 to vector<16xi32>
      %ge3A_71 = arith.cmpi sge, %gather3A, %ge3A_70 : vector<16xi32>
      %lt3A = arith.constant 49920 : i32
      %lt3A_72 = vector.broadcast %lt3A : i32 to vector<16xi32>
      %lt3A_73 = arith.cmpi slt, %gather3A, %lt3A_72 : vector<16xi32>
      %and3A = arith.andi %ge3A_71, %lt3A_73 : vector<16xi1>
      %sub3A = arith.constant 0 : i32
      %sub3A_74 = vector.broadcast %sub3A : i32 to vector<16xi32>
      %sub3A_75 = arith.subi %gather3A, %sub3A_74 : vector<16xi32>
      %jit3A = arith.constant 0 : i32
      %jit3A_76 = arith.constant 49919 : i32
      %max3A = vector.broadcast %jit3A : i32 to vector<16xi32>
      %max3A_77 = arith.maxsi %max3A, %sub3A_75 : vector<16xi32>
      %min3A = vector.broadcast %jit3A_76 : i32 to vector<16xi32>
      %min3A_78 = arith.minsi %min3A, %max3A_77 : vector<16xi32>
      %gather3A_79 = tpu.vector_load_idx %arg9[%min3A_78] : memref<49920xf32, #tpu.memory_space<vmem>>[vector<16xi32>], vector<16xf32>,
      %select_n3A = arith.select %and3A, %gather3A_79, %broadcast_in_dim3A_69 : vector<16xi1>, vector<16xf32>
      %dma_wait3A_80 = arith.constant 0 : i32
      %dma_wait3A_81 = tpu.memref_slice %arg2[%add3A_22, %dma_wait3A_80] : memref<512x100000xf32, #tpu.memory_space<hbm>> -> memref<1x100000xf32, #tpu.memory_space<hbm>>
      %dma_wait3A_82 = tpu.memref_squeeze %dma_wait3A_81 : memref<1x100000xf32, #tpu.memory_space<hbm>> -> memref<100000xf32, #tpu.memory_space<hbm>>
      %dma_wait3A_83 = arith.constant 49920 : i32
      %dma_wait3A_84 = tpu.memref_slice %dma_wait3A_82[%dma_wait3A_83] : memref<100000xf32, #tpu.memory_space<hbm>> -> memref<50080xf32, #tpu.memory_space<hbm>>
      %dma_wait3A_85 = arith.constant 0 : i32
      %dma_wait3A_86 = tpu.memref_slice %arg2[%add3A_22, %dma_wait3A_85] : memref<512x100000xf32, #tpu.memory_space<hbm>> -> memref<1x100000xf32, #tpu.memory_space<hbm>>
      %dma_wait3A_87 = tpu.memref_squeeze %dma_wait3A_86 : memref<1x100000xf32, #tpu.memory_space<hbm>> -> memref<100000xf32, #tpu.memory_space<hbm>>
      %dma_wait3A_88 = arith.constant 49920 : i32
      %dma_wait3A_89 = tpu.memref_slice %dma_wait3A_87[%dma_wait3A_88] : memref<100000xf32, #tpu.memory_space<hbm>> -> memref<50080xf32, #tpu.memory_space<hbm>>
      tpu.wait_dma2 semaphore(%arg18 : memref<!tpu.dma_semaphore, #tpu.memory_space<semaphore_mem>>) src(%dma_wait3A_89 : memref<50080xf32, #tpu.memory_space<hbm>>) dst(%arg10 : memref<50080xf32, #tpu.memory_space<vmem>>)
      %lt3A_90 = arith.constant 7 : i32
      %lt3A_91 = arith.cmpi slt, %scan3A_20, %lt3A_90 : i32
      %convert_element_type3A = arith.extui %lt3A_91 : i1 to i32
      %cond3A = arith.constant 0 : i32
      %cond3A_92 = arith.cmpi ne, %convert_element_type3A, %cond3A : i32
      scf.if %cond3A_92 {
        %add3A_156 = arith.constant 1 : i32
        %add3A_157 = arith.addi %add3A_22, %add3A_156 : i32
        %dma_start3A_158 = arith.constant 0 : i32
        %dma_start3A_159 = tpu.memref_slice %arg2[%add3A_157, %dma_start3A_158] : memref<512x100000xf32, #tpu.memory_space<hbm>> -> memref<1x100000xf32, #tpu.memory_space<hbm>>
        %dma_start3A_160 = tpu.memref_squeeze %dma_start3A_159 : memref<1x100000xf32, #tpu.memory_space<hbm>> -> memref<100000xf32, #tpu.memory_space<hbm>>
        %dma_start3A_161 = arith.constant 0 : i32
        %dma_start3A_162 = tpu.memref_slice %dma_start3A_160[%dma_start3A_161] : memref<100000xf32, #tpu.memory_space<hbm>> -> memref<49920xf32, #tpu.memory_space<hbm>>
        %dma_start3A_163 = arith.constant 0 : i32
        %dma_start3A_164 = tpu.memref_slice %arg2[%add3A_157, %dma_start3A_163] : memref<512x100000xf32, #tpu.memory_space<hbm>> -> memref<1x100000xf32, #tpu.memory_space<hbm>>
        %dma_start3A_165 = tpu.memref_squeeze %dma_start3A_164 : memref<1x100000xf32, #tpu.memory_space<hbm>> -> memref<100000xf32, #tpu.memory_space<hbm>>
        %dma_start3A_166 = arith.constant 0 : i32
        %dma_start3A_167 = tpu.memref_slice %dma_start3A_165[%dma_start3A_166] : memref<100000xf32, #tpu.memory_space<hbm>> -> memref<49920xf32, #tpu.memory_space<hbm>>
        tpu.enqueue_dma source(%dma_start3A_167 : memref<49920xf32, #tpu.memory_space<hbm>>) target(%arg9 : memref<49920xf32, #tpu.memory_space<vmem>>) target_semaphore(%arg17 : memref<!tpu.dma_semaphore, #tpu.memory_space<semaphore_mem>>)
      } else {
      }
      %scan3A_93 = arith.constant 0 : i32
      %scan3A_94 = arith.constant 626 : i32
      %scan3A_95 = arith.addi %scan3A_93, %scan3A_94 : i32
      %scan3A_96 = arith.constant 1 : i32
      %scan3A_97:10 = scf.for %scan3A_156 = %scan3A_93 to %scan3A_95 step %scan3A_96 iter_args(%scan3A_157 = %scan3A_66#0, %scan3A_158 = %scan3A_66#1, %scan3A_159 = %scan3A_66#2, %scan3A_160 = %scan3A_66#3, %scan3A_161 = %scan3A_66#4, %scan3A_162 = %scan3A_66#5, %scan3A_163 = %scan3A_66#6, %scan3A_164 = %scan3A_66#7, %scan3A_165 = %scan3A_66#8, %scan3A_166 = %scan3A_66#9) -> (vector<16xf32>, vector<16xf32>, vector<16xf32>, vector<16xf32>, vector<16xf32>, vector<16xf32>, vector<16xf32>, vector<16xf32>, vector<16xf32>, vector<16xf32>)  : i32 {
        %mul3A_167 = arith.constant 80 : i32
        %mul3A_168 = arith.muli %scan3A_156, %mul3A_167 : i32
        %add3A_169 = arith.constant 0 : i32
        %add3A_170 = arith.addi %mul3A_168, %add3A_169 : i32
        %get3A = arith.index_cast %add3A_170 : i32 to index
        %get3A_171 = tpu.vector_load %arg10[%get3A] {strides = array<i32>} : memref<50080xf32, #tpu.memory_space<vmem>>, vector<16xf32>,
        %max3A_172 = arith.maximumf %scan3A_157, %get3A_171 : vector<16xf32>
        %exp3A = math.exp %get3A_171 : vector<16xf32>
        %add3A_173 = arith.addf %scan3A_162, %exp3A : vector<16xf32>
        %mul3A_174 = arith.constant 80 : i32
        %mul3A_175 = arith.muli %scan3A_156, %mul3A_174 : i32
        %add3A_176 = arith.constant 16 : i32
        %add3A_177 = arith.addi %mul3A_175, %add3A_176 : i32
        %get3A_178 = arith.index_cast %add3A_177 : i32 to index
        %get3A_179 = tpu.vector_load %arg10[%get3A_178] {strides = array<i32>} : memref<50080xf32, #tpu.memory_space<vmem>>, vector<16xf32>,
        %max3A_180 = arith.maximumf %scan3A_158, %get3A_179 : vector<16xf32>
        %exp3A_181 = math.exp %get3A_179 : vector<16xf32>
        %add3A_182 = arith.addf %scan3A_163, %exp3A_181 : vector<16xf32>
        %mul3A_183 = arith.constant 80 : i32
        %mul3A_184 = arith.muli %scan3A_156, %mul3A_183 : i32
        %add3A_185 = arith.constant 32 : i32
        %add3A_186 = arith.addi %mul3A_184, %add3A_185 : i32
        %get3A_187 = arith.index_cast %add3A_186 : i32 to index
        %get3A_188 = tpu.vector_load %arg10[%get3A_187] {strides = array<i32>} : memref<50080xf32, #tpu.memory_space<vmem>>, vector<16xf32>,
        %max3A_189 = arith.maximumf %scan3A_159, %get3A_188 : vector<16xf32>
        %exp3A_190 = math.exp %get3A_188 : vector<16xf32>
        %add3A_191 = arith.addf %scan3A_164, %exp3A_190 : vector<16xf32>
        %mul3A_192 = arith.constant 80 : i32
        %mul3A_193 = arith.muli %scan3A_156, %mul3A_192 : i32
        %add3A_194 = arith.constant 48 : i32
        %add3A_195 = arith.addi %mul3A_193, %add3A_194 : i32
        %get3A_196 = arith.index_cast %add3A_195 : i32 to index
        %get3A_197 = tpu.vector_load %arg10[%get3A_196] {strides = array<i32>} : memref<50080xf32, #tpu.memory_space<vmem>>, vector<16xf32>,
        %max3A_198 = arith.maximumf %scan3A_160, %get3A_197 : vector<16xf32>
        %exp3A_199 = math.exp %get3A_197 : vector<16xf32>
        %add3A_200 = arith.addf %scan3A_165, %exp3A_199 : vector<16xf32>
        %mul3A_201 = arith.constant 80 : i32
        %mul3A_202 = arith.muli %scan3A_156, %mul3A_201 : i32
        %add3A_203 = arith.constant 64 : i32
        %add3A_204 = arith.addi %mul3A_202, %add3A_203 : i32
        %get3A_205 = arith.index_cast %add3A_204 : i32 to index
        %get3A_206 = tpu.vector_load %arg10[%get3A_205] {strides = array<i32>} : memref<50080xf32, #tpu.memory_space<vmem>>, vector<16xf32>,
        %max3A_207 = arith.maximumf %scan3A_161, %get3A_206 : vector<16xf32>
        %exp3A_208 = math.exp %get3A_206 : vector<16xf32>
        %add3A_209 = arith.addf %scan3A_166, %exp3A_208 : vector<16xf32>
        scf.yield %max3A_172, %max3A_180, %max3A_189, %max3A_198, %max3A_207, %add3A_173, %add3A_182, %add3A_191, %add3A_200, %add3A_209 : vector<16xf32>, vector<16xf32>, vector<16xf32>, vector<16xf32>, vector<16xf32>, vector<16xf32>, vector<16xf32>, vector<16xf32>, vector<16xf32>, vector<16xf32>
      }
      %scan3A_98 = arith.constant 626 : i32
      %ge3A_99 = arith.constant 49920 : i32
      %ge3A_100 = vector.broadcast %ge3A_99 : i32 to vector<16xi32>
      %ge3A_101 = arith.cmpi sge, %gather3A, %ge3A_100 : vector<16xi32>
      %lt3A_102 = arith.constant 100000 : i32
      %lt3A_103 = vector.broadcast %lt3A_102 : i32 to vector<16xi32>
      %lt3A_104 = arith.cmpi slt, %gather3A, %lt3A_103 : vector<16xi32>
      %and3A_105 = arith.andi %ge3A_101, %lt3A_104 : vector<16xi1>
      %sub3A_106 = arith.constant 49920 : i32
      %sub3A_107 = vector.broadcast %sub3A_106 : i32 to vector<16xi32>
      %sub3A_108 = arith.subi %gather3A, %sub3A_107 : vector<16xi32>
      %jit3A_109 = arith.constant 0 : i32
      %jit3A_110 = arith.constant 50079 : i32
      %max3A_111 = vector.broadcast %jit3A_109 : i32 to vector<16xi32>
      %max3A_112 = arith.maxsi %max3A_111, %sub3A_108 : vector<16xi32>
      %min3A_113 = vector.broadcast %jit3A_110 : i32 to vector<16xi32>
      %min3A_114 = arith.minsi %min3A_113, %max3A_112 : vector<16xi32>
      %gather3A_115 = tpu.vector_load_idx %arg10[%min3A_114] : memref<50080xf32, #tpu.memory_space<vmem>>[vector<16xi32>], vector<16xf32>,
      %select_n3A_116 = arith.select %and3A_105, %gather3A_115, %select_n3A : vector<16xi1>, vector<16xf32>
      %max3A_117 = arith.maximumf %scan3A_97#0, %scan3A_97#1 : vector<16xf32>
      %add3A_118 = arith.addf %scan3A_97#5, %scan3A_97#6 : vector<16xf32>
      %max3A_119 = arith.maximumf %max3A_117, %scan3A_97#2 : vector<16xf32>
      %add3A_120 = arith.addf %add3A_118, %scan3A_97#7 : vector<16xf32>
      %max3A_121 = arith.maximumf %max3A_119, %scan3A_97#3 : vector<16xf32>
      %add3A_122 = arith.addf %add3A_120, %scan3A_97#8 : vector<16xf32>
      %max3A_123 = arith.maximumf %max3A_121, %scan3A_97#4 : vector<16xf32>
      %add3A_124 = arith.addf %add3A_122, %scan3A_97#9 : vector<16xf32>
      %reduce_max3A = arith.constant true
      %reduce_max3A_125 = vector.broadcast %reduce_max3A : i1 to vector<16xi1>
      %reduce_max3A_126 = tpu.scan <max>, %max3A_123 masked %reduce_max3A_125 : vector<16xf32>, vector<16xi1> -> vector<16xf32>
      %reduce_max3A_127 = vector.extract %reduce_max3A_126[15] : f32 from vector<16xf32>
      %reduce_max3A_128 = arith.constant true
      %reduce_max3A_129 = vector.broadcast %reduce_max3A_128 : i1 to vector<16xi1>
      %reduce_max3A_130 = tpu.scan <max>, %select_n3A_116 masked %reduce_max3A_129 : vector<16xf32>, vector<16xi1> -> vector<16xf32>
      %reduce_max3A_131 = vector.extract %reduce_max3A_130[15] : f32 from vector<16xf32>
      %eq3A = arith.cmpf oeq, %reduce_max3A_131, %reduce_max3A_127 : f32
      %convert_element_type3A_132 = arith.extui %eq3A : i1 to i32
      %cond3A_133 = arith.constant 0 : i32
      %cond3A_134 = arith.cmpi ne, %convert_element_type3A_132, %cond3A_133 : i32
      %cond3A_135 = scf.if %cond3A_134 -> (vector<16xi32>) {
        %broadcast_in_dim3A_156 = vector.broadcast %reduce_max3A_127 : f32 to vector<16xf32>
        %lt3A_157 = arith.constant 7 : i32
        %lt3A_158 = arith.cmpi slt, %scan3A_20, %lt3A_157 : i32
        %convert_element_type3A_159 = arith.extui %lt3A_158 : i1 to i32
        %cond3A_160 = arith.constant 0 : i32
        %cond3A_161 = arith.cmpi ne, %convert_element_type3A_159, %cond3A_160 : i32
        scf.if %cond3A_161 {
          %add3A_181 = arith.constant 1 : i32
          %add3A_182 = arith.addi %add3A_22, %add3A_181 : i32
          %dma_wait3A_183 = arith.constant 0 : i32
          %dma_wait3A_184 = tpu.memref_slice %arg2[%add3A_182, %dma_wait3A_183] : memref<512x100000xf32, #tpu.memory_space<hbm>> -> memref<1x100000xf32, #tpu.memory_space<hbm>>
          %dma_wait3A_185 = tpu.memref_squeeze %dma_wait3A_184 : memref<1x100000xf32, #tpu.memory_space<hbm>> -> memref<100000xf32, #tpu.memory_space<hbm>>
          %dma_wait3A_186 = arith.constant 0 : i32
          %dma_wait3A_187 = tpu.memref_slice %dma_wait3A_185[%dma_wait3A_186] : memref<100000xf32, #tpu.memory_space<hbm>> -> memref<49920xf32, #tpu.memory_space<hbm>>
          %dma_wait3A_188 = arith.constant 0 : i32
          %dma_wait3A_189 = tpu.memref_slice %arg2[%add3A_182, %dma_wait3A_188] : memref<512x100000xf32, #tpu.memory_space<hbm>> -> memref<1x100000xf32, #tpu.memory_space<hbm>>
          %dma_wait3A_190 = tpu.memref_squeeze %dma_wait3A_189 : memref<1x100000xf32, #tpu.memory_space<hbm>> -> memref<100000xf32, #tpu.memory_space<hbm>>
          %dma_wait3A_191 = arith.constant 0 : i32
          %dma_wait3A_192 = tpu.memref_slice %dma_wait3A_190[%dma_wait3A_191] : memref<100000xf32, #tpu.memory_space<hbm>> -> memref<49920xf32, #tpu.memory_space<hbm>>
          tpu.wait_dma2 semaphore(%arg17 : memref<!tpu.dma_semaphore, #tpu.memory_space<semaphore_mem>>) src(%dma_wait3A_192 : memref<49920xf32, #tpu.memory_space<hbm>>) dst(%arg9 : memref<49920xf32, #tpu.memory_space<vmem>>)
        } else {
        }
        "tpu.region"() ({
          %run_scoped3A = tpu.sem_alloc : memref<!tpu.dma_semaphore, #tpu.memory_space<semaphore_mem>>
          %dma_start3A_181 = arith.constant 0 : i32
          %dma_start3A_182 = tpu.memref_slice %arg2[%add3A_22, %dma_start3A_181] : memref<512x100000xf32, #tpu.memory_space<hbm>> -> memref<1x100000xf32, #tpu.memory_space<hbm>>
          %dma_start3A_183 = tpu.memref_squeeze %dma_start3A_182 : memref<1x100000xf32, #tpu.memory_space<hbm>> -> memref<100000xf32, #tpu.memory_space<hbm>>
          %dma_start3A_184 = arith.constant 0 : i32
          %dma_start3A_185 = tpu.memref_slice %dma_start3A_183[%dma_start3A_184] : memref<100000xf32, #tpu.memory_space<hbm>> -> memref<49920xf32, #tpu.memory_space<hbm>>
          %dma_start3A_186 = arith.constant 0 : i32
          %dma_start3A_187 = tpu.memref_slice %arg2[%add3A_22, %dma_start3A_186] : memref<512x100000xf32, #tpu.memory_space<hbm>> -> memref<1x100000xf32, #tpu.memory_space<hbm>>
          %dma_start3A_188 = tpu.memref_squeeze %dma_start3A_187 : memref<1x100000xf32, #tpu.memory_space<hbm>> -> memref<100000xf32, #tpu.memory_space<hbm>>
          %dma_start3A_189 = arith.constant 0 : i32
          %dma_start3A_190 = tpu.memref_slice %dma_start3A_188[%dma_start3A_189] : memref<100000xf32, #tpu.memory_space<hbm>> -> memref<49920xf32, #tpu.memory_space<hbm>>
          tpu.enqueue_dma source(%dma_start3A_190 : memref<49920xf32, #tpu.memory_space<hbm>>) target(%arg9 : memref<49920xf32, #tpu.memory_space<vmem>>) target_semaphore(%run_scoped3A : memref<!tpu.dma_semaphore, #tpu.memory_space<semaphore_mem>>)
          %dma_wait3A_191 = arith.constant 0 : i32
          %dma_wait3A_192 = tpu.memref_slice %arg2[%add3A_22, %dma_wait3A_191] : memref<512x100000xf32, #tpu.memory_space<hbm>> -> memref<1x100000xf32, #tpu.memory_space<hbm>>
          %dma_wait3A_193 = tpu.memref_squeeze %dma_wait3A_192 : memref<1x100000xf32, #tpu.memory_space<hbm>> -> memref<100000xf32, #tpu.memory_space<hbm>>
          %dma_wait3A_194 = arith.constant 0 : i32
          %dma_wait3A_195 = tpu.memref_slice %dma_wait3A_193[%dma_wait3A_194] : memref<100000xf32, #tpu.memory_space<hbm>> -> memref<49920xf32, #tpu.memory_space<hbm>>
          %dma_wait3A_196 = arith.constant 0 : i32
          %dma_wait3A_197 = tpu.memref_slice %arg2[%add3A_22, %dma_wait3A_196] : memref<512x100000xf32, #tpu.memory_space<hbm>> -> memref<1x100000xf32, #tpu.memory_space<hbm>>
          %dma_wait3A_198 = tpu.memref_squeeze %dma_wait3A_197 : memref<1x100000xf32, #tpu.memory_space<hbm>> -> memref<100000xf32, #tpu.memory_space<hbm>>
          %dma_wait3A_199 = arith.constant 0 : i32
          %dma_wait3A_200 = tpu.memref_slice %dma_wait3A_198[%dma_wait3A_199] : memref<100000xf32, #tpu.memory_space<hbm>> -> memref<49920xf32, #tpu.memory_space<hbm>>
          tpu.wait_dma2 semaphore(%run_scoped3A : memref<!tpu.dma_semaphore, #tpu.memory_space<semaphore_mem>>) src(%dma_wait3A_200 : memref<49920xf32, #tpu.memory_space<hbm>>) dst(%arg9 : memref<49920xf32, #tpu.memory_space<vmem>>)
          tpu.yield
        }) : () -> ()
        %broadcast_in_dim3A_162 = arith.constant 1073741824 : i32
        %broadcast_in_dim3A_163 = vector.broadcast %broadcast_in_dim3A_162 : i32 to vector<16xi32>
        %scan3A_164 = arith.constant 0 : i32
        %scan3A_165 = arith.constant 624 : i32
        %scan3A_166 = arith.addi %scan3A_164, %scan3A_165 : i32
        %scan3A_167 = arith.constant 1 : i32
        %scan3A_168 = scf.for %scan3A_181 = %scan3A_164 to %scan3A_166 step %scan3A_167 iter_args(%scan3A_182 = %broadcast_in_dim3A_163) -> (vector<16xi32>)  : i32 {
          %mul3A_183 = arith.constant 80 : i32
          %mul3A_184 = arith.muli %scan3A_181, %mul3A_183 : i32
          %add3A_185 = arith.constant 0 : i32
          %add3A_186 = arith.addi %mul3A_184, %add3A_185 : i32
          %get3A = arith.index_cast %add3A_186 : i32 to index
          %get3A_187 = tpu.vector_load %arg9[%get3A] {strides = array<i32>} : memref<49920xf32, #tpu.memory_space<vmem>>, vector<16xf32>,
          %add3A_188 = arith.constant 0 : i32
          %add3A_189 = arith.addi %add3A_188, %add3A_186 : i32
          %add3A_190 = vector.broadcast %add3A_189 : i32 to vector<16xi32>
          %add3A_191 = arith.addi %add3A_190, %iota3A : vector<16xi32>
          %eq3A_192 = arith.cmpf oeq, %get3A_187, %broadcast_in_dim3A_156 : vector<16xf32>
          %eq3A_193 = arith.constant 1073741824 : i32
          %eq3A_194 = vector.broadcast %eq3A_193 : i32 to vector<16xi32>
          %eq3A_195 = arith.cmpi eq, %scan3A_182, %eq3A_194 : vector<16xi32>
          %and3A_196 = arith.andi %eq3A_192, %eq3A_195 : vector<16xi1>
          %select_n3A_197 = arith.select %and3A_196, %add3A_191, %scan3A_182 : vector<16xi1>, vector<16xi32>
          %mul3A_198 = arith.constant 80 : i32
          %mul3A_199 = arith.muli %scan3A_181, %mul3A_198 : i32
          %add3A_200 = arith.constant 16 : i32
          %add3A_201 = arith.addi %mul3A_199, %add3A_200 : i32
          %get3A_202 = arith.index_cast %add3A_201 : i32 to index
          %get3A_203 = tpu.vector_load %arg9[%get3A_202] {strides = array<i32>} : memref<49920xf32, #tpu.memory_space<vmem>>, vector<16xf32>,
          %add3A_204 = arith.constant 0 : i32
          %add3A_205 = arith.addi %add3A_204, %add3A_201 : i32
          %add3A_206 = vector.broadcast %add3A_205 : i32 to vector<16xi32>
          %add3A_207 = arith.addi %add3A_206, %iota3A : vector<16xi32>
          %eq3A_208 = arith.cmpf oeq, %get3A_203, %broadcast_in_dim3A_156 : vector<16xf32>
          %eq3A_209 = arith.constant 1073741824 : i32
          %eq3A_210 = vector.broadcast %eq3A_209 : i32 to vector<16xi32>
          %eq3A_211 = arith.cmpi eq, %select_n3A_197, %eq3A_210 : vector<16xi32>
          %and3A_212 = arith.andi %eq3A_208, %eq3A_211 : vector<16xi1>
          %select_n3A_213 = arith.select %and3A_212, %add3A_207, %select_n3A_197 : vector<16xi1>, vector<16xi32>
          %mul3A_214 = arith.constant 80 : i32
          %mul3A_215 = arith.muli %scan3A_181, %mul3A_214 : i32
          %add3A_216 = arith.constant 32 : i32
          %add3A_217 = arith.addi %mul3A_215, %add3A_216 : i32
          %get3A_218 = arith.index_cast %add3A_217 : i32 to index
          %get3A_219 = tpu.vector_load %arg9[%get3A_218] {strides = array<i32>} : memref<49920xf32, #tpu.memory_space<vmem>>, vector<16xf32>,
          %add3A_220 = arith.constant 0 : i32
          %add3A_221 = arith.addi %add3A_220, %add3A_217 : i32
          %add3A_222 = vector.broadcast %add3A_221 : i32 to vector<16xi32>
          %add3A_223 = arith.addi %add3A_222, %iota3A : vector<16xi32>
          %eq3A_224 = arith.cmpf oeq, %get3A_219, %broadcast_in_dim3A_156 : vector<16xf32>
          %eq3A_225 = arith.constant 1073741824 : i32
          %eq3A_226 = vector.broadcast %eq3A_225 : i32 to vector<16xi32>
          %eq3A_227 = arith.cmpi eq, %select_n3A_213, %eq3A_226 : vector<16xi32>
          %and3A_228 = arith.andi %eq3A_224, %eq3A_227 : vector<16xi1>
          %select_n3A_229 = arith.select %and3A_228, %add3A_223, %select_n3A_213 : vector<16xi1>, vector<16xi32>
          %mul3A_230 = arith.constant 80 : i32
          %mul3A_231 = arith.muli %scan3A_181, %mul3A_230 : i32
          %add3A_232 = arith.constant 48 : i32
          %add3A_233 = arith.addi %mul3A_231, %add3A_232 : i32
          %get3A_234 = arith.index_cast %add3A_233 : i32 to index
          %get3A_235 = tpu.vector_load %arg9[%get3A_234] {strides = array<i32>} : memref<49920xf32, #tpu.memory_space<vmem>>, vector<16xf32>,
          %add3A_236 = arith.constant 0 : i32
          %add3A_237 = arith.addi %add3A_236, %add3A_233 : i32
          %add3A_238 = vector.broadcast %add3A_237 : i32 to vector<16xi32>
          %add3A_239 = arith.addi %add3A_238, %iota3A : vector<16xi32>
          %eq3A_240 = arith.cmpf oeq, %get3A_235, %broadcast_in_dim3A_156 : vector<16xf32>
          %eq3A_241 = arith.constant 1073741824 : i32
          %eq3A_242 = vector.broadcast %eq3A_241 : i32 to vector<16xi32>
          %eq3A_243 = arith.cmpi eq, %select_n3A_229, %eq3A_242 : vector<16xi32>
          %and3A_244 = arith.andi %eq3A_240, %eq3A_243 : vector<16xi1>
          %select_n3A_245 = arith.select %and3A_244, %add3A_239, %select_n3A_229 : vector<16xi1>, vector<16xi32>
          %mul3A_246 = arith.constant 80 : i32
          %mul3A_247 = arith.muli %scan3A_181, %mul3A_246 : i32
          %add3A_248 = arith.constant 64 : i32
          %add3A_249 = arith.addi %mul3A_247, %add3A_248 : i32
          %get3A_250 = arith.index_cast %add3A_249 : i32 to index
          %get3A_251 = tpu.vector_load %arg9[%get3A_250] {strides = array<i32>} : memref<49920xf32, #tpu.memory_space<vmem>>, vector<16xf32>,
          %add3A_252 = arith.constant 0 : i32
          %add3A_253 = arith.addi %add3A_252, %add3A_249 : i32
          %add3A_254 = vector.broadcast %add3A_253 : i32 to vector<16xi32>
          %add3A_255 = arith.addi %add3A_254, %iota3A : vector<16xi32>
          %eq3A_256 = arith.cmpf oeq, %get3A_251, %broadcast_in_dim3A_156 : vector<16xf32>
          %eq3A_257 = arith.constant 1073741824 : i32
          %eq3A_258 = vector.broadcast %eq3A_257 : i32 to vector<16xi32>
          %eq3A_259 = arith.cmpi eq, %select_n3A_245, %eq3A_258 : vector<16xi32>
          %and3A_260 = arith.andi %eq3A_256, %eq3A_259 : vector<16xi1>
          %select_n3A_261 = arith.select %and3A_260, %add3A_255, %select_n3A_245 : vector<16xi1>, vector<16xi32>
          scf.yield %select_n3A_261 : vector<16xi32>
        }
        %scan3A_169 = arith.constant 624 : i32
        %scan3A_170 = arith.constant 0 : i32
        %scan3A_171 = arith.constant 626 : i32
        %scan3A_172 = arith.addi %scan3A_170, %scan3A_171 : i32
        %scan3A_173 = arith.constant 1 : i32
        %scan3A_174 = scf.for %scan3A_181 = %scan3A_170 to %scan3A_172 step %scan3A_173 iter_args(%scan3A_182 = %scan3A_168) -> (vector<16xi32>)  : i32 {
          %mul3A_183 = arith.constant 80 : i32
          %mul3A_184 = arith.muli %scan3A_181, %mul3A_183 : i32
          %add3A_185 = arith.constant 0 : i32
          %add3A_186 = arith.addi %mul3A_184, %add3A_185 : i32
          %get3A = arith.index_cast %add3A_186 : i32 to index
          %get3A_187 = tpu.vector_load %arg10[%get3A] {strides = array<i32>} : memref<50080xf32, #tpu.memory_space<vmem>>, vector<16xf32>,
          %add3A_188 = arith.constant 49920 : i32
          %add3A_189 = arith.addi %add3A_188, %add3A_186 : i32
          %add3A_190 = vector.broadcast %add3A_189 : i32 to vector<16xi32>
          %add3A_191 = arith.addi %add3A_190, %iota3A : vector<16xi32>
          %eq3A_192 = arith.cmpf oeq, %get3A_187, %broadcast_in_dim3A_156 : vector<16xf32>
          %eq3A_193 = arith.constant 1073741824 : i32
          %eq3A_194 = vector.broadcast %eq3A_193 : i32 to vector<16xi32>
          %eq3A_195 = arith.cmpi eq, %scan3A_182, %eq3A_194 : vector<16xi32>
          %and3A_196 = arith.andi %eq3A_192, %eq3A_195 : vector<16xi1>
          %select_n3A_197 = arith.select %and3A_196, %add3A_191, %scan3A_182 : vector<16xi1>, vector<16xi32>
          %mul3A_198 = arith.constant 80 : i32
          %mul3A_199 = arith.muli %scan3A_181, %mul3A_198 : i32
          %add3A_200 = arith.constant 16 : i32
          %add3A_201 = arith.addi %mul3A_199, %add3A_200 : i32
          %get3A_202 = arith.index_cast %add3A_201 : i32 to index
          %get3A_203 = tpu.vector_load %arg10[%get3A_202] {strides = array<i32>} : memref<50080xf32, #tpu.memory_space<vmem>>, vector<16xf32>,
          %add3A_204 = arith.constant 49920 : i32
          %add3A_205 = arith.addi %add3A_204, %add3A_201 : i32
          %add3A_206 = vector.broadcast %add3A_205 : i32 to vector<16xi32>
          %add3A_207 = arith.addi %add3A_206, %iota3A : vector<16xi32>
          %eq3A_208 = arith.cmpf oeq, %get3A_203, %broadcast_in_dim3A_156 : vector<16xf32>
          %eq3A_209 = arith.constant 1073741824 : i32
          %eq3A_210 = vector.broadcast %eq3A_209 : i32 to vector<16xi32>
          %eq3A_211 = arith.cmpi eq, %select_n3A_197, %eq3A_210 : vector<16xi32>
          %and3A_212 = arith.andi %eq3A_208, %eq3A_211 : vector<16xi1>
          %select_n3A_213 = arith.select %and3A_212, %add3A_207, %select_n3A_197 : vector<16xi1>, vector<16xi32>
          %mul3A_214 = arith.constant 80 : i32
          %mul3A_215 = arith.muli %scan3A_181, %mul3A_214 : i32
          %add3A_216 = arith.constant 32 : i32
          %add3A_217 = arith.addi %mul3A_215, %add3A_216 : i32
          %get3A_218 = arith.index_cast %add3A_217 : i32 to index
          %get3A_219 = tpu.vector_load %arg10[%get3A_218] {strides = array<i32>} : memref<50080xf32, #tpu.memory_space<vmem>>, vector<16xf32>,
          %add3A_220 = arith.constant 49920 : i32
          %add3A_221 = arith.addi %add3A_220, %add3A_217 : i32
          %add3A_222 = vector.broadcast %add3A_221 : i32 to vector<16xi32>
          %add3A_223 = arith.addi %add3A_222, %iota3A : vector<16xi32>
          %eq3A_224 = arith.cmpf oeq, %get3A_219, %broadcast_in_dim3A_156 : vector<16xf32>
          %eq3A_225 = arith.constant 1073741824 : i32
          %eq3A_226 = vector.broadcast %eq3A_225 : i32 to vector<16xi32>
          %eq3A_227 = arith.cmpi eq, %select_n3A_213, %eq3A_226 : vector<16xi32>
          %and3A_228 = arith.andi %eq3A_224, %eq3A_227 : vector<16xi1>
          %select_n3A_229 = arith.select %and3A_228, %add3A_223, %select_n3A_213 : vector<16xi1>, vector<16xi32>
          %mul3A_230 = arith.constant 80 : i32
          %mul3A_231 = arith.muli %scan3A_181, %mul3A_230 : i32
          %add3A_232 = arith.constant 48 : i32
          %add3A_233 = arith.addi %mul3A_231, %add3A_232 : i32
          %get3A_234 = arith.index_cast %add3A_233 : i32 to index
          %get3A_235 = tpu.vector_load %arg10[%get3A_234] {strides = array<i32>} : memref<50080xf32, #tpu.memory_space<vmem>>, vector<16xf32>,
          %add3A_236 = arith.constant 49920 : i32
          %add3A_237 = arith.addi %add3A_236, %add3A_233 : i32
          %add3A_238 = vector.broadcast %add3A_237 : i32 to vector<16xi32>
          %add3A_239 = arith.addi %add3A_238, %iota3A : vector<16xi32>
          %eq3A_240 = arith.cmpf oeq, %get3A_235, %broadcast_in_dim3A_156 : vector<16xf32>
          %eq3A_241 = arith.constant 1073741824 : i32
          %eq3A_242 = vector.broadcast %eq3A_241 : i32 to vector<16xi32>
          %eq3A_243 = arith.cmpi eq, %select_n3A_229, %eq3A_242 : vector<16xi32>
          %and3A_244 = arith.andi %eq3A_240, %eq3A_243 : vector<16xi1>
          %select_n3A_245 = arith.select %and3A_244, %add3A_239, %select_n3A_229 : vector<16xi1>, vector<16xi32>
          %mul3A_246 = arith.constant 80 : i32
          %mul3A_247 = arith.muli %scan3A_181, %mul3A_246 : i32
          %add3A_248 = arith.constant 64 : i32
          %add3A_249 = arith.addi %mul3A_247, %add3A_248 : i32
          %get3A_250 = arith.index_cast %add3A_249 : i32 to index
          %get3A_251 = tpu.vector_load %arg10[%get3A_250] {strides = array<i32>} : memref<50080xf32, #tpu.memory_space<vmem>>, vector<16xf32>,
          %add3A_252 = arith.constant 49920 : i32
          %add3A_253 = arith.addi %add3A_252, %add3A_249 : i32
          %add3A_254 = vector.broadcast %add3A_253 : i32 to vector<16xi32>
          %add3A_255 = arith.addi %add3A_254, %iota3A : vector<16xi32>
          %eq3A_256 = arith.cmpf oeq, %get3A_251, %broadcast_in_dim3A_156 : vector<16xf32>
          %eq3A_257 = arith.constant 1073741824 : i32
          %eq3A_258 = vector.broadcast %eq3A_257 : i32 to vector<16xi32>
          %eq3A_259 = arith.cmpi eq, %select_n3A_245, %eq3A_258 : vector<16xi32>
          %and3A_260 = arith.andi %eq3A_256, %eq3A_259 : vector<16xi1>
          %select_n3A_261 = arith.select %and3A_260, %add3A_255, %select_n3A_245 : vector<16xi1>, vector<16xi32>
          scf.yield %select_n3A_261 : vector<16xi32>
        }
        %scan3A_175 = arith.constant 626 : i32
        %lt3A_176 = arith.constant 7 : i32
        %lt3A_177 = arith.cmpi slt, %scan3A_20, %lt3A_176 : i32
        %convert_element_type3A_178 = arith.extui %lt3A_177 : i1 to i32
        %cond3A_179 = arith.constant 0 : i32
        %cond3A_180 = arith.cmpi ne, %convert_element_type3A_178, %cond3A_179 : i32
        scf.if %cond3A_180 {
          %add3A_181 = arith.constant 1 : i32
          %add3A_182 = arith.addi %add3A_22, %add3A_181 : i32
          %dma_start3A_183 = arith.constant 0 : i32
          %dma_start3A_184 = tpu.memref_slice %arg2[%add3A_182, %dma_start3A_183] : memref<512x100000xf32, #tpu.memory_space<hbm>> -> memref<1x100000xf32, #tpu.memory_space<hbm>>
          %dma_start3A_185 = tpu.memref_squeeze %dma_start3A_184 : memref<1x100000xf32, #tpu.memory_space<hbm>> -> memref<100000xf32, #tpu.memory_space<hbm>>
          %dma_start3A_186 = arith.constant 0 : i32
          %dma_start3A_187 = tpu.memref_slice %dma_start3A_185[%dma_start3A_186] : memref<100000xf32, #tpu.memory_space<hbm>> -> memref<49920xf32, #tpu.memory_space<hbm>>
          %dma_start3A_188 = arith.constant 0 : i32
          %dma_start3A_189 = tpu.memref_slice %arg2[%add3A_182, %dma_start3A_188] : memref<512x100000xf32, #tpu.memory_space<hbm>> -> memref<1x100000xf32, #tpu.memory_space<hbm>>
          %dma_start3A_190 = tpu.memref_squeeze %dma_start3A_189 : memref<1x100000xf32, #tpu.memory_space<hbm>> -> memref<100000xf32, #tpu.memory_space<hbm>>
          %dma_start3A_191 = arith.constant 0 : i32
          %dma_start3A_192 = tpu.memref_slice %dma_start3A_190[%dma_start3A_191] : memref<100000xf32, #tpu.memory_space<hbm>> -> memref<49920xf32, #tpu.memory_space<hbm>>
          tpu.enqueue_dma source(%dma_start3A_192 : memref<49920xf32, #tpu.memory_space<hbm>>) target(%arg9 : memref<49920xf32, #tpu.memory_space<vmem>>) target_semaphore(%arg17 : memref<!tpu.dma_semaphore, #tpu.memory_space<semaphore_mem>>)
        } else {
        }
        scf.yield %scan3A_174 : vector<16xi32>
      } else {
        %broadcast_in_dim3A_156 = arith.constant 1073741824 : i32
        %broadcast_in_dim3A_157 = vector.broadcast %broadcast_in_dim3A_156 : i32 to vector<16xi32>
        scf.yield %broadcast_in_dim3A_157 : vector<16xi32>
      }
      %mul3A_136 = arith.constant 16 : i32
      %mul3A_137 = arith.muli %scan3A_20, %mul3A_136 : i32
      %swap3A = arith.index_cast %mul3A_137 : i32 to index
      %swap3A_138 = tpu.vector_load %arg12[%swap3A] {strides = array<i32>} : memref<128xf32, #tpu.memory_space<vmem>>, vector<16xf32>,
      tpu.vector_store %arg12[%swap3A], %max3A_123 {strides = array<i32>} : memref<128xf32, #tpu.memory_space<vmem>>, vector<16xf32>,
      %mul3A_139 = arith.constant 16 : i32
      %mul3A_140 = arith.muli %scan3A_20, %mul3A_139 : i32
      %swap3A_141 = arith.index_cast %mul3A_140 : i32 to index
      %swap3A_142 = tpu.vector_load %arg13[%swap3A_141] {strides = array<i32>} : memref<128xf32, #tpu.memory_space<vmem>>, vector<16xf32>,
      tpu.vector_store %arg13[%swap3A_141], %add3A_124 {strides = array<i32>} : memref<128xf32, #tpu.memory_space<vmem>>, vector<16xf32>,
      %mul3A_143 = arith.constant 16 : i32
      %mul3A_144 = arith.muli %scan3A_20, %mul3A_143 : i32
      %swap3A_145 = arith.index_cast %mul3A_144 : i32 to index
      %swap3A_146 = tpu.vector_load %arg14[%swap3A_145] {strides = array<i32>} : memref<128xi32, #tpu.memory_space<vmem>>, vector<16xi32>,
      tpu.vector_store %arg14[%swap3A_145], %cond3A_135 {strides = array<i32>} : memref<128xi32, #tpu.memory_space<vmem>>, vector<16xi32>,
      %mul3A_147 = arith.constant 16 : i32
      %mul3A_148 = arith.muli %scan3A_20, %mul3A_147 : i32
      %swap3A_149 = arith.index_cast %mul3A_148 : i32 to index
      %swap3A_150 = tpu.vector_load %arg15[%swap3A_149] {strides = array<i32>} : memref<128xf32, #tpu.memory_space<vmem>>, vector<16xf32>,
      tpu.vector_store %arg15[%swap3A_149], %select_n3A_116 {strides = array<i32>} : memref<128xf32, #tpu.memory_space<vmem>>, vector<16xf32>,
      %mul3A_151 = arith.constant 16 : i32
      %mul3A_152 = arith.muli %scan3A_20, %mul3A_151 : i32
      %swap3A_153 = arith.index_cast %mul3A_152 : i32 to index
      %swap3A_154 = tpu.vector_load %arg16[%swap3A_153] {strides = array<i32>} : memref<128xi32, #tpu.memory_space<vmem>>, vector<16xi32>,
      tpu.vector_store %arg16[%swap3A_153], %gather3A {strides = array<i32>} : memref<128xi32, #tpu.memory_space<vmem>>, vector<16xi32>,
      %scan3A_155 = arith.constant 0 : i32
      scf.yield %scan3A_155 : i32
    }
    %scan3A_17 = arith.constant 8 : i32
    %mul3A_18 = arith.constant 16 : i32
    %mul3A_19 = arith.muli %mul3A_2, %mul3A_18 : i32
    "tpu.region"() ({
      %run_scoped3A = tpu.sem_alloc : memref<!tpu.dma_semaphore, #tpu.memory_space<semaphore_mem>>
      %dma_start3A_20 = tpu.memref_slice %arg4[%mul3A_19] : memref<4096xf32, #tpu.memory_space<hbm>> -> memref<128xf32, #tpu.memory_space<hbm>>
      %dma_start3A_21 = tpu.memref_slice %arg4[%mul3A_19] : memref<4096xf32, #tpu.memory_space<hbm>> -> memref<128xf32, #tpu.memory_space<hbm>>
      tpu.enqueue_dma source(%arg12 : memref<128xf32, #tpu.memory_space<vmem>>) target(%dma_start3A_21 : memref<128xf32, #tpu.memory_space<hbm>>) target_semaphore(%run_scoped3A : memref<!tpu.dma_semaphore, #tpu.memory_space<semaphore_mem>>)
      %dma_wait3A = tpu.memref_slice %arg4[%mul3A_19] : memref<4096xf32, #tpu.memory_space<hbm>> -> memref<128xf32, #tpu.memory_space<hbm>>
      %dma_wait3A_22 = tpu.memref_slice %arg4[%mul3A_19] : memref<4096xf32, #tpu.memory_space<hbm>> -> memref<128xf32, #tpu.memory_space<hbm>>
      tpu.wait_dma2 semaphore(%run_scoped3A : memref<!tpu.dma_semaphore, #tpu.memory_space<semaphore_mem>>) src(%arg12 : memref<128xf32, #tpu.memory_space<vmem>>) dst(%dma_wait3A_22 : memref<128xf32, #tpu.memory_space<hbm>>)
      tpu.yield
    }) : () -> ()
    "tpu.region"() ({
      %run_scoped3A = tpu.sem_alloc : memref<!tpu.dma_semaphore, #tpu.memory_space<semaphore_mem>>
      %dma_start3A_20 = tpu.memref_slice %arg5[%mul3A_19] : memref<4096xf32, #tpu.memory_space<hbm>> -> memref<128xf32, #tpu.memory_space<hbm>>
      %dma_start3A_21 = tpu.memref_slice %arg5[%mul3A_19] : memref<4096xf32, #tpu.memory_space<hbm>> -> memref<128xf32, #tpu.memory_space<hbm>>
      tpu.enqueue_dma source(%arg13 : memref<128xf32, #tpu.memory_space<vmem>>) target(%dma_start3A_21 : memref<128xf32, #tpu.memory_space<hbm>>) target_semaphore(%run_scoped3A : memref<!tpu.dma_semaphore, #tpu.memory_space<semaphore_mem>>)
      %dma_wait3A = tpu.memref_slice %arg5[%mul3A_19] : memref<4096xf32, #tpu.memory_space<hbm>> -> memref<128xf32, #tpu.memory_space<hbm>>
      %dma_wait3A_22 = tpu.memref_slice %arg5[%mul3A_19] : memref<4096xf32, #tpu.memory_space<hbm>> -> memref<128xf32, #tpu.memory_space<hbm>>
      tpu.wait_dma2 semaphore(%run_scoped3A : memref<!tpu.dma_semaphore, #tpu.memory_space<semaphore_mem>>) src(%arg13 : memref<128xf32, #tpu.memory_space<vmem>>) dst(%dma_wait3A_22 : memref<128xf32, #tpu.memory_space<hbm>>)
      tpu.yield
    }) : () -> ()
    "tpu.region"() ({
      %run_scoped3A = tpu.sem_alloc : memref<!tpu.dma_semaphore, #tpu.memory_space<semaphore_mem>>
      %dma_start3A_20 = tpu.memref_slice %arg6[%mul3A_19] : memref<4096xi32, #tpu.memory_space<hbm>> -> memref<128xi32, #tpu.memory_space<hbm>>
      %dma_start3A_21 = tpu.memref_slice %arg6[%mul3A_19] : memref<4096xi32, #tpu.memory_space<hbm>> -> memref<128xi32, #tpu.memory_space<hbm>>
      tpu.enqueue_dma source(%arg14 : memref<128xi32, #tpu.memory_space<vmem>>) target(%dma_start3A_21 : memref<128xi32, #tpu.memory_space<hbm>>) target_semaphore(%run_scoped3A : memref<!tpu.dma_semaphore, #tpu.memory_space<semaphore_mem>>)
      %dma_wait3A = tpu.memref_slice %arg6[%mul3A_19] : memref<4096xi32, #tpu.memory_space<hbm>> -> memref<128xi32, #tpu.memory_space<hbm>>
      %dma_wait3A_22 = tpu.memref_slice %arg6[%mul3A_19] : memref<4096xi32, #tpu.memory_space<hbm>> -> memref<128xi32, #tpu.memory_space<hbm>>
      tpu.wait_dma2 semaphore(%run_scoped3A : memref<!tpu.dma_semaphore, #tpu.memory_space<semaphore_mem>>) src(%arg14 : memref<128xi32, #tpu.memory_space<vmem>>) dst(%dma_wait3A_22 : memref<128xi32, #tpu.memory_space<hbm>>)
      tpu.yield
    }) : () -> ()
    "tpu.region"() ({
      %run_scoped3A = tpu.sem_alloc : memref<!tpu.dma_semaphore, #tpu.memory_space<semaphore_mem>>
      %dma_start3A_20 = tpu.memref_slice %arg7[%mul3A_19] : memref<4096xf32, #tpu.memory_space<hbm>> -> memref<128xf32, #tpu.memory_space<hbm>>
      %dma_start3A_21 = tpu.memref_slice %arg7[%mul3A_19] : memref<4096xf32, #tpu.memory_space<hbm>> -> memref<128xf32, #tpu.memory_space<hbm>>
      tpu.enqueue_dma source(%arg15 : memref<128xf32, #tpu.memory_space<vmem>>) target(%dma_start3A_21 : memref<128xf32, #tpu.memory_space<hbm>>) target_semaphore(%run_scoped3A : memref<!tpu.dma_semaphore, #tpu.memory_space<semaphore_mem>>)
      %dma_wait3A = tpu.memref_slice %arg7[%mul3A_19] : memref<4096xf32, #tpu.memory_space<hbm>> -> memref<128xf32, #tpu.memory_space<hbm>>
      %dma_wait3A_22 = tpu.memref_slice %arg7[%mul3A_19] : memref<4096xf32, #tpu.memory_space<hbm>> -> memref<128xf32, #tpu.memory_space<hbm>>
      tpu.wait_dma2 semaphore(%run_scoped3A : memref<!tpu.dma_semaphore, #tpu.memory_space<semaphore_mem>>) src(%arg15 : memref<128xf32, #tpu.memory_space<vmem>>) dst(%dma_wait3A_22 : memref<128xf32, #tpu.memory_space<hbm>>)
      tpu.yield
    }) : () -> ()
    "tpu.region"() ({
      %run_scoped3A = tpu.sem_alloc : memref<!tpu.dma_semaphore, #tpu.memory_space<semaphore_mem>>
      %dma_start3A_20 = tpu.memref_slice %arg8[%mul3A_19] : memref<4096xi32, #tpu.memory_space<hbm>> -> memref<128xi32, #tpu.memory_space<hbm>>
      %dma_start3A_21 = tpu.memref_slice %arg8[%mul3A_19] : memref<4096xi32, #tpu.memory_space<hbm>> -> memref<128xi32, #tpu.memory_space<hbm>>
      tpu.enqueue_dma source(%arg16 : memref<128xi32, #tpu.memory_space<vmem>>) target(%dma_start3A_21 : memref<128xi32, #tpu.memory_space<hbm>>) target_semaphore(%run_scoped3A : memref<!tpu.dma_semaphore, #tpu.memory_space<semaphore_mem>>)
      %dma_wait3A = tpu.memref_slice %arg8[%mul3A_19] : memref<4096xi32, #tpu.memory_space<hbm>> -> memref<128xi32, #tpu.memory_space<hbm>>
      %dma_wait3A_22 = tpu.memref_slice %arg8[%mul3A_19] : memref<4096xi32, #tpu.memory_space<hbm>> -> memref<128xi32, #tpu.memory_space<hbm>>
      tpu.wait_dma2 semaphore(%run_scoped3A : memref<!tpu.dma_semaphore, #tpu.memory_space<semaphore_mem>>) src(%arg16 : memref<128xi32, #tpu.memory_space<vmem>>) dst(%dma_wait3A_22 : memref<128xi32, #tpu.memory_space<hbm>>)
      tpu.yield
    }) : () -> ()
    return
  }
}

module attributes {stable_mosaic.version = 14 : i64} {
  func.func @_tc_body(%arg0: i32, %arg1: memref<512xi32, #tpu.memory_space<smem>>, %arg2: memref<32x100000xf32, #tpu.memory_space<vmem>>, %arg3: memref<1x1xf32, #tpu.memory_space<smem>>) attributes {dimension_semantics = [#tpu.dimension_semantics<arbitrary>], iteration_bounds = array<i64: 8>, scalar_prefetch = 1 : i64, scratch_operands = 0 : i64, tpu.core_type = #tpu.core_type<tc>, window_params = [{transform_indices = @transform_0, window_bounds = array<i64: 32, 100000>}, {transform_indices = @transform_1, window_bounds = array<i64: 1, 1>}]} {
    %iota3A = tpu.iota {dimensions = array<i32: 1>} : vector<32x128xi32>
    %broadcast_in_dim3A = arith.constant 0xFF800000 : f32
    %broadcast_in_dim3A_0 = vector.broadcast %broadcast_in_dim3A : f32 to vector<32x128xf32>
    %broadcast_in_dim3A_1 = arith.constant 0.000000e+00 : f32
    %broadcast_in_dim3A_2 = vector.broadcast %broadcast_in_dim3A_1 : f32 to vector<32x128xf32>
    %scan3A = arith.constant 0 : i32
    %scan3A_3 = arith.constant 35 : i32
    %scan3A_4 = arith.addi %scan3A, %scan3A_3 : i32
    %scan3A_5 = arith.constant 1 : i32
    %scan3A_6:2 = scf.for %scan3A_965 = %scan3A to %scan3A_4 step %scan3A_5 iter_args(%scan3A_966 = %broadcast_in_dim3A_0, %scan3A_967 = %broadcast_in_dim3A_2) -> (vector<32x128xf32>, vector<32x128xf32>)  : i32 {
      %mul3A_968 = arith.constant 2816 : i32
      %mul3A_969 = arith.muli %scan3A_965, %mul3A_968 : i32
      %get3A_970 = arith.constant 0 : index
      %get3A_971 = arith.index_cast %mul3A_969 : i32 to index
      %get3A_972 = vector.load %arg2[%get3A_970, %get3A_971] : memref<32x100000xf32, #tpu.memory_space<vmem>>, vector<32x2816xf32>
      %slice3A_973 = vector.extract_strided_slice %get3A_972 {offsets = [0, 0], sizes = [32, 128], strides = [1, 1]} : vector<32x2816xf32> to vector<32x128xf32>
      %slice3A_974 = vector.extract_strided_slice %get3A_972 {offsets = [0, 128], sizes = [32, 128], strides = [1, 1]} : vector<32x2816xf32> to vector<32x128xf32>
      %slice3A_975 = vector.extract_strided_slice %get3A_972 {offsets = [0, 256], sizes = [32, 128], strides = [1, 1]} : vector<32x2816xf32> to vector<32x128xf32>
      %slice3A_976 = vector.extract_strided_slice %get3A_972 {offsets = [0, 384], sizes = [32, 128], strides = [1, 1]} : vector<32x2816xf32> to vector<32x128xf32>
      %slice3A_977 = vector.extract_strided_slice %get3A_972 {offsets = [0, 512], sizes = [32, 128], strides = [1, 1]} : vector<32x2816xf32> to vector<32x128xf32>
      %slice3A_978 = vector.extract_strided_slice %get3A_972 {offsets = [0, 640], sizes = [32, 128], strides = [1, 1]} : vector<32x2816xf32> to vector<32x128xf32>
      %slice3A_979 = vector.extract_strided_slice %get3A_972 {offsets = [0, 768], sizes = [32, 128], strides = [1, 1]} : vector<32x2816xf32> to vector<32x128xf32>
      %slice3A_980 = vector.extract_strided_slice %get3A_972 {offsets = [0, 896], sizes = [32, 128], strides = [1, 1]} : vector<32x2816xf32> to vector<32x128xf32>
      %slice3A_981 = vector.extract_strided_slice %get3A_972 {offsets = [0, 1024], sizes = [32, 128], strides = [1, 1]} : vector<32x2816xf32> to vector<32x128xf32>
      %slice3A_982 = vector.extract_strided_slice %get3A_972 {offsets = [0, 1152], sizes = [32, 128], strides = [1, 1]} : vector<32x2816xf32> to vector<32x128xf32>
      %slice3A_983 = vector.extract_strided_slice %get3A_972 {offsets = [0, 1280], sizes = [32, 128], strides = [1, 1]} : vector<32x2816xf32> to vector<32x128xf32>
      %slice3A_984 = vector.extract_strided_slice %get3A_972 {offsets = [0, 1408], sizes = [32, 128], strides = [1, 1]} : vector<32x2816xf32> to vector<32x128xf32>
      %slice3A_985 = vector.extract_strided_slice %get3A_972 {offsets = [0, 1536], sizes = [32, 128], strides = [1, 1]} : vector<32x2816xf32> to vector<32x128xf32>
      %slice3A_986 = vector.extract_strided_slice %get3A_972 {offsets = [0, 1664], sizes = [32, 128], strides = [1, 1]} : vector<32x2816xf32> to vector<32x128xf32>
      %slice3A_987 = vector.extract_strided_slice %get3A_972 {offsets = [0, 1792], sizes = [32, 128], strides = [1, 1]} : vector<32x2816xf32> to vector<32x128xf32>
      %slice3A_988 = vector.extract_strided_slice %get3A_972 {offsets = [0, 1920], sizes = [32, 128], strides = [1, 1]} : vector<32x2816xf32> to vector<32x128xf32>
      %slice3A_989 = vector.extract_strided_slice %get3A_972 {offsets = [0, 2048], sizes = [32, 128], strides = [1, 1]} : vector<32x2816xf32> to vector<32x128xf32>
      %slice3A_990 = vector.extract_strided_slice %get3A_972 {offsets = [0, 2176], sizes = [32, 128], strides = [1, 1]} : vector<32x2816xf32> to vector<32x128xf32>
      %slice3A_991 = vector.extract_strided_slice %get3A_972 {offsets = [0, 2304], sizes = [32, 128], strides = [1, 1]} : vector<32x2816xf32> to vector<32x128xf32>
      %slice3A_992 = vector.extract_strided_slice %get3A_972 {offsets = [0, 2432], sizes = [32, 128], strides = [1, 1]} : vector<32x2816xf32> to vector<32x128xf32>
      %slice3A_993 = vector.extract_strided_slice %get3A_972 {offsets = [0, 2560], sizes = [32, 128], strides = [1, 1]} : vector<32x2816xf32> to vector<32x128xf32>
      %slice3A_994 = vector.extract_strided_slice %get3A_972 {offsets = [0, 2688], sizes = [32, 128], strides = [1, 1]} : vector<32x2816xf32> to vector<32x128xf32>
      %max3A_995 = arith.maximumf %slice3A_973, %slice3A_974 : vector<32x128xf32>
      %max3A_996 = arith.maximumf %slice3A_975, %slice3A_976 : vector<32x128xf32>
      %max3A_997 = arith.maximumf %slice3A_977, %slice3A_978 : vector<32x128xf32>
      %max3A_998 = arith.maximumf %slice3A_979, %slice3A_980 : vector<32x128xf32>
      %max3A_999 = arith.maximumf %slice3A_981, %slice3A_982 : vector<32x128xf32>
      %max3A_1000 = arith.maximumf %slice3A_983, %slice3A_984 : vector<32x128xf32>
      %max3A_1001 = arith.maximumf %slice3A_985, %slice3A_986 : vector<32x128xf32>
      %max3A_1002 = arith.maximumf %slice3A_987, %slice3A_988 : vector<32x128xf32>
      %max3A_1003 = arith.maximumf %slice3A_989, %slice3A_990 : vector<32x128xf32>
      %max3A_1004 = arith.maximumf %slice3A_991, %slice3A_992 : vector<32x128xf32>
      %max3A_1005 = arith.maximumf %slice3A_993, %slice3A_994 : vector<32x128xf32>
      %max3A_1006 = arith.maximumf %max3A_995, %max3A_996 : vector<32x128xf32>
      %max3A_1007 = arith.maximumf %max3A_997, %max3A_998 : vector<32x128xf32>
      %max3A_1008 = arith.maximumf %max3A_999, %max3A_1000 : vector<32x128xf32>
      %max3A_1009 = arith.maximumf %max3A_1001, %max3A_1002 : vector<32x128xf32>
      %max3A_1010 = arith.maximumf %max3A_1003, %max3A_1004 : vector<32x128xf32>
      %max3A_1011 = arith.maximumf %max3A_1006, %max3A_1007 : vector<32x128xf32>
      %max3A_1012 = arith.maximumf %max3A_1008, %max3A_1009 : vector<32x128xf32>
      %max3A_1013 = arith.maximumf %max3A_1010, %max3A_1005 : vector<32x128xf32>
      %max3A_1014 = arith.maximumf %max3A_1011, %max3A_1012 : vector<32x128xf32>
      %max3A_1015 = arith.maximumf %max3A_1014, %max3A_1013 : vector<32x128xf32>
      %max3A_1016 = arith.maximumf %scan3A_966, %max3A_1015 : vector<32x128xf32>
      %exp3A_1017 = math.exp %slice3A_973 : vector<32x128xf32>
      %exp3A_1018 = math.exp %slice3A_974 : vector<32x128xf32>
      %exp3A_1019 = math.exp %slice3A_975 : vector<32x128xf32>
      %exp3A_1020 = math.exp %slice3A_976 : vector<32x128xf32>
      %exp3A_1021 = math.exp %slice3A_977 : vector<32x128xf32>
      %exp3A_1022 = math.exp %slice3A_978 : vector<32x128xf32>
      %exp3A_1023 = math.exp %slice3A_979 : vector<32x128xf32>
      %exp3A_1024 = math.exp %slice3A_980 : vector<32x128xf32>
      %exp3A_1025 = math.exp %slice3A_981 : vector<32x128xf32>
      %exp3A_1026 = math.exp %slice3A_982 : vector<32x128xf32>
      %exp3A_1027 = math.exp %slice3A_983 : vector<32x128xf32>
      %exp3A_1028 = math.exp %slice3A_984 : vector<32x128xf32>
      %exp3A_1029 = math.exp %slice3A_985 : vector<32x128xf32>
      %exp3A_1030 = math.exp %slice3A_986 : vector<32x128xf32>
      %exp3A_1031 = math.exp %slice3A_987 : vector<32x128xf32>
      %exp3A_1032 = math.exp %slice3A_988 : vector<32x128xf32>
      %exp3A_1033 = math.exp %slice3A_989 : vector<32x128xf32>
      %exp3A_1034 = math.exp %slice3A_990 : vector<32x128xf32>
      %exp3A_1035 = math.exp %slice3A_991 : vector<32x128xf32>
      %exp3A_1036 = math.exp %slice3A_992 : vector<32x128xf32>
      %exp3A_1037 = math.exp %slice3A_993 : vector<32x128xf32>
      %exp3A_1038 = math.exp %slice3A_994 : vector<32x128xf32>
      %add3A_1039 = arith.addf %exp3A_1017, %exp3A_1018 : vector<32x128xf32>
      %add3A_1040 = arith.addf %exp3A_1019, %exp3A_1020 : vector<32x128xf32>
      %add3A_1041 = arith.addf %exp3A_1021, %exp3A_1022 : vector<32x128xf32>
      %add3A_1042 = arith.addf %exp3A_1023, %exp3A_1024 : vector<32x128xf32>
      %add3A_1043 = arith.addf %exp3A_1025, %exp3A_1026 : vector<32x128xf32>
      %add3A_1044 = arith.addf %exp3A_1027, %exp3A_1028 : vector<32x128xf32>
      %add3A_1045 = arith.addf %exp3A_1029, %exp3A_1030 : vector<32x128xf32>
      %add3A_1046 = arith.addf %exp3A_1031, %exp3A_1032 : vector<32x128xf32>
      %add3A_1047 = arith.addf %exp3A_1033, %exp3A_1034 : vector<32x128xf32>
      %add3A_1048 = arith.addf %exp3A_1035, %exp3A_1036 : vector<32x128xf32>
      %add3A_1049 = arith.addf %exp3A_1037, %exp3A_1038 : vector<32x128xf32>
      %add3A_1050 = arith.addf %add3A_1039, %add3A_1040 : vector<32x128xf32>
      %add3A_1051 = arith.addf %add3A_1041, %add3A_1042 : vector<32x128xf32>
      %add3A_1052 = arith.addf %add3A_1043, %add3A_1044 : vector<32x128xf32>
      %add3A_1053 = arith.addf %add3A_1045, %add3A_1046 : vector<32x128xf32>
      %add3A_1054 = arith.addf %add3A_1047, %add3A_1048 : vector<32x128xf32>
      %add3A_1055 = arith.addf %add3A_1050, %add3A_1051 : vector<32x128xf32>
      %add3A_1056 = arith.addf %add3A_1052, %add3A_1053 : vector<32x128xf32>
      %add3A_1057 = arith.addf %add3A_1054, %add3A_1049 : vector<32x128xf32>
      %add3A_1058 = arith.addf %add3A_1055, %add3A_1056 : vector<32x128xf32>
      %add3A_1059 = arith.addf %add3A_1058, %add3A_1057 : vector<32x128xf32>
      %add3A_1060 = arith.addf %scan3A_967, %add3A_1059 : vector<32x128xf32>
      scf.yield %max3A_1016, %add3A_1060 : vector<32x128xf32>, vector<32x128xf32>
    }
    %scan3A_7 = arith.constant 35 : i32
    %get3A = arith.constant 0 : index
    %get3A_8 = arith.constant 98560 : index
    %get3A_9 = vector.load %arg2[%get3A, %get3A_8] : memref<32x100000xf32, #tpu.memory_space<vmem>>, vector<32x1408xf32>
    %slice3A = vector.extract_strided_slice %get3A_9 {offsets = [0, 0], sizes = [32, 128], strides = [1, 1]} : vector<32x1408xf32> to vector<32x128xf32>
    %slice3A_10 = vector.extract_strided_slice %get3A_9 {offsets = [0, 128], sizes = [32, 128], strides = [1, 1]} : vector<32x1408xf32> to vector<32x128xf32>
    %slice3A_11 = vector.extract_strided_slice %get3A_9 {offsets = [0, 256], sizes = [32, 128], strides = [1, 1]} : vector<32x1408xf32> to vector<32x128xf32>
    %slice3A_12 = vector.extract_strided_slice %get3A_9 {offsets = [0, 384], sizes = [32, 128], strides = [1, 1]} : vector<32x1408xf32> to vector<32x128xf32>
    %slice3A_13 = vector.extract_strided_slice %get3A_9 {offsets = [0, 512], sizes = [32, 128], strides = [1, 1]} : vector<32x1408xf32> to vector<32x128xf32>
    %slice3A_14 = vector.extract_strided_slice %get3A_9 {offsets = [0, 640], sizes = [32, 128], strides = [1, 1]} : vector<32x1408xf32> to vector<32x128xf32>
    %slice3A_15 = vector.extract_strided_slice %get3A_9 {offsets = [0, 768], sizes = [32, 128], strides = [1, 1]} : vector<32x1408xf32> to vector<32x128xf32>
    %slice3A_16 = vector.extract_strided_slice %get3A_9 {offsets = [0, 896], sizes = [32, 128], strides = [1, 1]} : vector<32x1408xf32> to vector<32x128xf32>
    %slice3A_17 = vector.extract_strided_slice %get3A_9 {offsets = [0, 1024], sizes = [32, 128], strides = [1, 1]} : vector<32x1408xf32> to vector<32x128xf32>
    %slice3A_18 = vector.extract_strided_slice %get3A_9 {offsets = [0, 1152], sizes = [32, 128], strides = [1, 1]} : vector<32x1408xf32> to vector<32x128xf32>
    %slice3A_19 = vector.extract_strided_slice %get3A_9 {offsets = [0, 1280], sizes = [32, 128], strides = [1, 1]} : vector<32x1408xf32> to vector<32x128xf32>
    %max3A = arith.maximumf %slice3A, %slice3A_10 : vector<32x128xf32>
    %max3A_20 = arith.maximumf %slice3A_11, %slice3A_12 : vector<32x128xf32>
    %max3A_21 = arith.maximumf %slice3A_13, %slice3A_14 : vector<32x128xf32>
    %max3A_22 = arith.maximumf %slice3A_15, %slice3A_16 : vector<32x128xf32>
    %max3A_23 = arith.maximumf %slice3A_17, %slice3A_18 : vector<32x128xf32>
    %max3A_24 = arith.maximumf %max3A, %max3A_20 : vector<32x128xf32>
    %max3A_25 = arith.maximumf %max3A_21, %max3A_22 : vector<32x128xf32>
    %max3A_26 = arith.maximumf %max3A_23, %slice3A_19 : vector<32x128xf32>
    %max3A_27 = arith.maximumf %max3A_24, %max3A_25 : vector<32x128xf32>
    %max3A_28 = arith.maximumf %max3A_27, %max3A_26 : vector<32x128xf32>
    %max3A_29 = arith.maximumf %scan3A_6#0, %max3A_28 : vector<32x128xf32>
    %exp3A = math.exp %slice3A : vector<32x128xf32>
    %exp3A_30 = math.exp %slice3A_10 : vector<32x128xf32>
    %exp3A_31 = math.exp %slice3A_11 : vector<32x128xf32>
    %exp3A_32 = math.exp %slice3A_12 : vector<32x128xf32>
    %exp3A_33 = math.exp %slice3A_13 : vector<32x128xf32>
    %exp3A_34 = math.exp %slice3A_14 : vector<32x128xf32>
    %exp3A_35 = math.exp %slice3A_15 : vector<32x128xf32>
    %exp3A_36 = math.exp %slice3A_16 : vector<32x128xf32>
    %exp3A_37 = math.exp %slice3A_17 : vector<32x128xf32>
    %exp3A_38 = math.exp %slice3A_18 : vector<32x128xf32>
    %exp3A_39 = math.exp %slice3A_19 : vector<32x128xf32>
    %add3A = arith.addf %exp3A, %exp3A_30 : vector<32x128xf32>
    %add3A_40 = arith.addf %exp3A_31, %exp3A_32 : vector<32x128xf32>
    %add3A_41 = arith.addf %exp3A_33, %exp3A_34 : vector<32x128xf32>
    %add3A_42 = arith.addf %exp3A_35, %exp3A_36 : vector<32x128xf32>
    %add3A_43 = arith.addf %exp3A_37, %exp3A_38 : vector<32x128xf32>
    %add3A_44 = arith.addf %add3A, %add3A_40 : vector<32x128xf32>
    %add3A_45 = arith.addf %add3A_41, %add3A_42 : vector<32x128xf32>
    %add3A_46 = arith.addf %add3A_43, %exp3A_39 : vector<32x128xf32>
    %add3A_47 = arith.addf %add3A_44, %add3A_45 : vector<32x128xf32>
    %add3A_48 = arith.addf %add3A_47, %add3A_46 : vector<32x128xf32>
    %add3A_49 = arith.addf %scan3A_6#1, %add3A_48 : vector<32x128xf32>
    %get3A_50 = arith.constant 0 : index
    %get3A_51 = arith.constant 99872 : index
    %get3A_52 = vector.load %arg2[%get3A_50, %get3A_51] : memref<32x100000xf32, #tpu.memory_space<vmem>>, vector<32x128xf32>
    %ge3A = arith.constant 96 : i32
    %ge3A_53 = vector.broadcast %ge3A : i32 to vector<32x128xi32>
    %ge3A_54 = arith.cmpi sge, %iota3A, %ge3A_53 : vector<32x128xi32>
    %exp3A_55 = math.exp %get3A_52 : vector<32x128xf32>
    %jit3A = arith.constant 0.000000e+00 : f32
    %broadcast_in_dim3A_56 = vector.broadcast %jit3A : f32 to vector<32x128xf32>
    %select_n3A = arith.select %ge3A_54, %exp3A_55, %broadcast_in_dim3A_56 : vector<32x128xi1>, vector<32x128xf32>
    %add3A_57 = arith.addf %add3A_49, %select_n3A : vector<32x128xf32>
    %jit3A_58 = arith.constant 0xFF800000 : f32
    %broadcast_in_dim3A_59 = vector.broadcast %jit3A_58 : f32 to vector<32x128xf32>
    %select_n3A_60 = arith.select %ge3A_54, %get3A_52, %broadcast_in_dim3A_59 : vector<32x128xi1>, vector<32x128xf32>
    %max3A_61 = arith.maximumf %max3A_29, %select_n3A_60 : vector<32x128xf32>
    %reduce_max3A = arith.constant dense<0xFF800000> : vector<32xf32>
    %reduce_max3A_62 = vector.multi_reduction <maximumf>, %max3A_61, %reduce_max3A [1] : vector<32x128xf32> to vector<32xf32>
    %broadcast_in_dim3A_63 = vector.shape_cast %reduce_max3A_62 : vector<32xf32> to vector<32x1xf32>
    %reduce_sum3A = arith.constant dense<0.000000e+00> : vector<32xf32>
    %reduce_sum3A_64 = vector.multi_reduction <add>, %add3A_57, %reduce_sum3A [1] : vector<32x128xf32> to vector<32xf32>
    %broadcast_in_dim3A_65 = vector.shape_cast %reduce_sum3A_64 : vector<32xf32> to vector<32x1xf32>
    %mul3A = arith.constant 32 : i32
    %mul3A_66 = arith.muli %arg0, %mul3A : i32
    %add3A_67 = arith.constant 256 : i32
    %add3A_68 = arith.addi %add3A_67, %mul3A_66 : i32
    %add3A_69 = arith.constant 0 : i32
    %add3A_70 = arith.addi %add3A_68, %add3A_69 : i32
    %get3A_71 = arith.index_cast %add3A_70 : i32 to index
    %get3A_72 = memref.load %arg1[%get3A_71] : memref<512xi32, #tpu.memory_space<smem>>
    %mul3A_73 = arith.constant 32 : i32
    %mul3A_74 = arith.muli %arg0, %mul3A_73 : i32
    %add3A_75 = arith.constant 256 : i32
    %add3A_76 = arith.addi %add3A_75, %mul3A_74 : i32
    %add3A_77 = arith.constant 1 : i32
    %add3A_78 = arith.addi %add3A_76, %add3A_77 : i32
    %get3A_79 = arith.index_cast %add3A_78 : i32 to index
    %get3A_80 = memref.load %arg1[%get3A_79] : memref<512xi32, #tpu.memory_space<smem>>
    %mul3A_81 = arith.constant 32 : i32
    %mul3A_82 = arith.muli %arg0, %mul3A_81 : i32
    %add3A_83 = arith.constant 256 : i32
    %add3A_84 = arith.addi %add3A_83, %mul3A_82 : i32
    %add3A_85 = arith.constant 2 : i32
    %add3A_86 = arith.addi %add3A_84, %add3A_85 : i32
    %get3A_87 = arith.index_cast %add3A_86 : i32 to index
    %get3A_88 = memref.load %arg1[%get3A_87] : memref<512xi32, #tpu.memory_space<smem>>
    %mul3A_89 = arith.constant 32 : i32
    %mul3A_90 = arith.muli %arg0, %mul3A_89 : i32
    %add3A_91 = arith.constant 256 : i32
    %add3A_92 = arith.addi %add3A_91, %mul3A_90 : i32
    %add3A_93 = arith.constant 3 : i32
    %add3A_94 = arith.addi %add3A_92, %add3A_93 : i32
    %get3A_95 = arith.index_cast %add3A_94 : i32 to index
    %get3A_96 = memref.load %arg1[%get3A_95] : memref<512xi32, #tpu.memory_space<smem>>
    %mul3A_97 = arith.constant 32 : i32
    %mul3A_98 = arith.muli %arg0, %mul3A_97 : i32
    %add3A_99 = arith.constant 256 : i32
    %add3A_100 = arith.addi %add3A_99, %mul3A_98 : i32
    %add3A_101 = arith.constant 4 : i32
    %add3A_102 = arith.addi %add3A_100, %add3A_101 : i32
    %get3A_103 = arith.index_cast %add3A_102 : i32 to index
    %get3A_104 = memref.load %arg1[%get3A_103] : memref<512xi32, #tpu.memory_space<smem>>
    %mul3A_105 = arith.constant 32 : i32
    %mul3A_106 = arith.muli %arg0, %mul3A_105 : i32
    %add3A_107 = arith.constant 256 : i32
    %add3A_108 = arith.addi %add3A_107, %mul3A_106 : i32
    %add3A_109 = arith.constant 5 : i32
    %add3A_110 = arith.addi %add3A_108, %add3A_109 : i32
    %get3A_111 = arith.index_cast %add3A_110 : i32 to index
    %get3A_112 = memref.load %arg1[%get3A_111] : memref<512xi32, #tpu.memory_space<smem>>
    %mul3A_113 = arith.constant 32 : i32
    %mul3A_114 = arith.muli %arg0, %mul3A_113 : i32
    %add3A_115 = arith.constant 256 : i32
    %add3A_116 = arith.addi %add3A_115, %mul3A_114 : i32
    %add3A_117 = arith.constant 6 : i32
    %add3A_118 = arith.addi %add3A_116, %add3A_117 : i32
    %get3A_119 = arith.index_cast %add3A_118 : i32 to index
    %get3A_120 = memref.load %arg1[%get3A_119] : memref<512xi32, #tpu.memory_space<smem>>
    %mul3A_121 = arith.constant 32 : i32
    %mul3A_122 = arith.muli %arg0, %mul3A_121 : i32
    %add3A_123 = arith.constant 256 : i32
    %add3A_124 = arith.addi %add3A_123, %mul3A_122 : i32
    %add3A_125 = arith.constant 7 : i32
    %add3A_126 = arith.addi %add3A_124, %add3A_125 : i32
    %get3A_127 = arith.index_cast %add3A_126 : i32 to index
    %get3A_128 = memref.load %arg1[%get3A_127] : memref<512xi32, #tpu.memory_space<smem>>
    %mul3A_129 = arith.constant 32 : i32
    %mul3A_130 = arith.muli %arg0, %mul3A_129 : i32
    %add3A_131 = arith.constant 256 : i32
    %add3A_132 = arith.addi %add3A_131, %mul3A_130 : i32
    %add3A_133 = arith.constant 8 : i32
    %add3A_134 = arith.addi %add3A_132, %add3A_133 : i32
    %get3A_135 = arith.index_cast %add3A_134 : i32 to index
    %get3A_136 = memref.load %arg1[%get3A_135] : memref<512xi32, #tpu.memory_space<smem>>
    %mul3A_137 = arith.constant 32 : i32
    %mul3A_138 = arith.muli %arg0, %mul3A_137 : i32
    %add3A_139 = arith.constant 256 : i32
    %add3A_140 = arith.addi %add3A_139, %mul3A_138 : i32
    %add3A_141 = arith.constant 9 : i32
    %add3A_142 = arith.addi %add3A_140, %add3A_141 : i32
    %get3A_143 = arith.index_cast %add3A_142 : i32 to index
    %get3A_144 = memref.load %arg1[%get3A_143] : memref<512xi32, #tpu.memory_space<smem>>
    %mul3A_145 = arith.constant 32 : i32
    %mul3A_146 = arith.muli %arg0, %mul3A_145 : i32
    %add3A_147 = arith.constant 256 : i32
    %add3A_148 = arith.addi %add3A_147, %mul3A_146 : i32
    %add3A_149 = arith.constant 10 : i32
    %add3A_150 = arith.addi %add3A_148, %add3A_149 : i32
    %get3A_151 = arith.index_cast %add3A_150 : i32 to index
    %get3A_152 = memref.load %arg1[%get3A_151] : memref<512xi32, #tpu.memory_space<smem>>
    %mul3A_153 = arith.constant 32 : i32
    %mul3A_154 = arith.muli %arg0, %mul3A_153 : i32
    %add3A_155 = arith.constant 256 : i32
    %add3A_156 = arith.addi %add3A_155, %mul3A_154 : i32
    %add3A_157 = arith.constant 11 : i32
    %add3A_158 = arith.addi %add3A_156, %add3A_157 : i32
    %get3A_159 = arith.index_cast %add3A_158 : i32 to index
    %get3A_160 = memref.load %arg1[%get3A_159] : memref<512xi32, #tpu.memory_space<smem>>
    %mul3A_161 = arith.constant 32 : i32
    %mul3A_162 = arith.muli %arg0, %mul3A_161 : i32
    %add3A_163 = arith.constant 256 : i32
    %add3A_164 = arith.addi %add3A_163, %mul3A_162 : i32
    %add3A_165 = arith.constant 12 : i32
    %add3A_166 = arith.addi %add3A_164, %add3A_165 : i32
    %get3A_167 = arith.index_cast %add3A_166 : i32 to index
    %get3A_168 = memref.load %arg1[%get3A_167] : memref<512xi32, #tpu.memory_space<smem>>
    %mul3A_169 = arith.constant 32 : i32
    %mul3A_170 = arith.muli %arg0, %mul3A_169 : i32
    %add3A_171 = arith.constant 256 : i32
    %add3A_172 = arith.addi %add3A_171, %mul3A_170 : i32
    %add3A_173 = arith.constant 13 : i32
    %add3A_174 = arith.addi %add3A_172, %add3A_173 : i32
    %get3A_175 = arith.index_cast %add3A_174 : i32 to index
    %get3A_176 = memref.load %arg1[%get3A_175] : memref<512xi32, #tpu.memory_space<smem>>
    %mul3A_177 = arith.constant 32 : i32
    %mul3A_178 = arith.muli %arg0, %mul3A_177 : i32
    %add3A_179 = arith.constant 256 : i32
    %add3A_180 = arith.addi %add3A_179, %mul3A_178 : i32
    %add3A_181 = arith.constant 14 : i32
    %add3A_182 = arith.addi %add3A_180, %add3A_181 : i32
    %get3A_183 = arith.index_cast %add3A_182 : i32 to index
    %get3A_184 = memref.load %arg1[%get3A_183] : memref<512xi32, #tpu.memory_space<smem>>
    %mul3A_185 = arith.constant 32 : i32
    %mul3A_186 = arith.muli %arg0, %mul3A_185 : i32
    %add3A_187 = arith.constant 256 : i32
    %add3A_188 = arith.addi %add3A_187, %mul3A_186 : i32
    %add3A_189 = arith.constant 15 : i32
    %add3A_190 = arith.addi %add3A_188, %add3A_189 : i32
    %get3A_191 = arith.index_cast %add3A_190 : i32 to index
    %get3A_192 = memref.load %arg1[%get3A_191] : memref<512xi32, #tpu.memory_space<smem>>
    %mul3A_193 = arith.constant 32 : i32
    %mul3A_194 = arith.muli %arg0, %mul3A_193 : i32
    %add3A_195 = arith.constant 256 : i32
    %add3A_196 = arith.addi %add3A_195, %mul3A_194 : i32
    %add3A_197 = arith.constant 16 : i32
    %add3A_198 = arith.addi %add3A_196, %add3A_197 : i32
    %get3A_199 = arith.index_cast %add3A_198 : i32 to index
    %get3A_200 = memref.load %arg1[%get3A_199] : memref<512xi32, #tpu.memory_space<smem>>
    %mul3A_201 = arith.constant 32 : i32
    %mul3A_202 = arith.muli %arg0, %mul3A_201 : i32
    %add3A_203 = arith.constant 256 : i32
    %add3A_204 = arith.addi %add3A_203, %mul3A_202 : i32
    %add3A_205 = arith.constant 17 : i32
    %add3A_206 = arith.addi %add3A_204, %add3A_205 : i32
    %get3A_207 = arith.index_cast %add3A_206 : i32 to index
    %get3A_208 = memref.load %arg1[%get3A_207] : memref<512xi32, #tpu.memory_space<smem>>
    %mul3A_209 = arith.constant 32 : i32
    %mul3A_210 = arith.muli %arg0, %mul3A_209 : i32
    %add3A_211 = arith.constant 256 : i32
    %add3A_212 = arith.addi %add3A_211, %mul3A_210 : i32
    %add3A_213 = arith.constant 18 : i32
    %add3A_214 = arith.addi %add3A_212, %add3A_213 : i32
    %get3A_215 = arith.index_cast %add3A_214 : i32 to index
    %get3A_216 = memref.load %arg1[%get3A_215] : memref<512xi32, #tpu.memory_space<smem>>
    %mul3A_217 = arith.constant 32 : i32
    %mul3A_218 = arith.muli %arg0, %mul3A_217 : i32
    %add3A_219 = arith.constant 256 : i32
    %add3A_220 = arith.addi %add3A_219, %mul3A_218 : i32
    %add3A_221 = arith.constant 19 : i32
    %add3A_222 = arith.addi %add3A_220, %add3A_221 : i32
    %get3A_223 = arith.index_cast %add3A_222 : i32 to index
    %get3A_224 = memref.load %arg1[%get3A_223] : memref<512xi32, #tpu.memory_space<smem>>
    %mul3A_225 = arith.constant 32 : i32
    %mul3A_226 = arith.muli %arg0, %mul3A_225 : i32
    %add3A_227 = arith.constant 256 : i32
    %add3A_228 = arith.addi %add3A_227, %mul3A_226 : i32
    %add3A_229 = arith.constant 20 : i32
    %add3A_230 = arith.addi %add3A_228, %add3A_229 : i32
    %get3A_231 = arith.index_cast %add3A_230 : i32 to index
    %get3A_232 = memref.load %arg1[%get3A_231] : memref<512xi32, #tpu.memory_space<smem>>
    %mul3A_233 = arith.constant 32 : i32
    %mul3A_234 = arith.muli %arg0, %mul3A_233 : i32
    %add3A_235 = arith.constant 256 : i32
    %add3A_236 = arith.addi %add3A_235, %mul3A_234 : i32
    %add3A_237 = arith.constant 21 : i32
    %add3A_238 = arith.addi %add3A_236, %add3A_237 : i32
    %get3A_239 = arith.index_cast %add3A_238 : i32 to index
    %get3A_240 = memref.load %arg1[%get3A_239] : memref<512xi32, #tpu.memory_space<smem>>
    %mul3A_241 = arith.constant 32 : i32
    %mul3A_242 = arith.muli %arg0, %mul3A_241 : i32
    %add3A_243 = arith.constant 256 : i32
    %add3A_244 = arith.addi %add3A_243, %mul3A_242 : i32
    %add3A_245 = arith.constant 22 : i32
    %add3A_246 = arith.addi %add3A_244, %add3A_245 : i32
    %get3A_247 = arith.index_cast %add3A_246 : i32 to index
    %get3A_248 = memref.load %arg1[%get3A_247] : memref<512xi32, #tpu.memory_space<smem>>
    %mul3A_249 = arith.constant 32 : i32
    %mul3A_250 = arith.muli %arg0, %mul3A_249 : i32
    %add3A_251 = arith.constant 256 : i32
    %add3A_252 = arith.addi %add3A_251, %mul3A_250 : i32
    %add3A_253 = arith.constant 23 : i32
    %add3A_254 = arith.addi %add3A_252, %add3A_253 : i32
    %get3A_255 = arith.index_cast %add3A_254 : i32 to index
    %get3A_256 = memref.load %arg1[%get3A_255] : memref<512xi32, #tpu.memory_space<smem>>
    %mul3A_257 = arith.constant 32 : i32
    %mul3A_258 = arith.muli %arg0, %mul3A_257 : i32
    %add3A_259 = arith.constant 256 : i32
    %add3A_260 = arith.addi %add3A_259, %mul3A_258 : i32
    %add3A_261 = arith.constant 24 : i32
    %add3A_262 = arith.addi %add3A_260, %add3A_261 : i32
    %get3A_263 = arith.index_cast %add3A_262 : i32 to index
    %get3A_264 = memref.load %arg1[%get3A_263] : memref<512xi32, #tpu.memory_space<smem>>
    %mul3A_265 = arith.constant 32 : i32
    %mul3A_266 = arith.muli %arg0, %mul3A_265 : i32
    %add3A_267 = arith.constant 256 : i32
    %add3A_268 = arith.addi %add3A_267, %mul3A_266 : i32
    %add3A_269 = arith.constant 25 : i32
    %add3A_270 = arith.addi %add3A_268, %add3A_269 : i32
    %get3A_271 = arith.index_cast %add3A_270 : i32 to index
    %get3A_272 = memref.load %arg1[%get3A_271] : memref<512xi32, #tpu.memory_space<smem>>
    %mul3A_273 = arith.constant 32 : i32
    %mul3A_274 = arith.muli %arg0, %mul3A_273 : i32
    %add3A_275 = arith.constant 256 : i32
    %add3A_276 = arith.addi %add3A_275, %mul3A_274 : i32
    %add3A_277 = arith.constant 26 : i32
    %add3A_278 = arith.addi %add3A_276, %add3A_277 : i32
    %get3A_279 = arith.index_cast %add3A_278 : i32 to index
    %get3A_280 = memref.load %arg1[%get3A_279] : memref<512xi32, #tpu.memory_space<smem>>
    %mul3A_281 = arith.constant 32 : i32
    %mul3A_282 = arith.muli %arg0, %mul3A_281 : i32
    %add3A_283 = arith.constant 256 : i32
    %add3A_284 = arith.addi %add3A_283, %mul3A_282 : i32
    %add3A_285 = arith.constant 27 : i32
    %add3A_286 = arith.addi %add3A_284, %add3A_285 : i32
    %get3A_287 = arith.index_cast %add3A_286 : i32 to index
    %get3A_288 = memref.load %arg1[%get3A_287] : memref<512xi32, #tpu.memory_space<smem>>
    %mul3A_289 = arith.constant 32 : i32
    %mul3A_290 = arith.muli %arg0, %mul3A_289 : i32
    %add3A_291 = arith.constant 256 : i32
    %add3A_292 = arith.addi %add3A_291, %mul3A_290 : i32
    %add3A_293 = arith.constant 28 : i32
    %add3A_294 = arith.addi %add3A_292, %add3A_293 : i32
    %get3A_295 = arith.index_cast %add3A_294 : i32 to index
    %get3A_296 = memref.load %arg1[%get3A_295] : memref<512xi32, #tpu.memory_space<smem>>
    %mul3A_297 = arith.constant 32 : i32
    %mul3A_298 = arith.muli %arg0, %mul3A_297 : i32
    %add3A_299 = arith.constant 256 : i32
    %add3A_300 = arith.addi %add3A_299, %mul3A_298 : i32
    %add3A_301 = arith.constant 29 : i32
    %add3A_302 = arith.addi %add3A_300, %add3A_301 : i32
    %get3A_303 = arith.index_cast %add3A_302 : i32 to index
    %get3A_304 = memref.load %arg1[%get3A_303] : memref<512xi32, #tpu.memory_space<smem>>
    %mul3A_305 = arith.constant 32 : i32
    %mul3A_306 = arith.muli %arg0, %mul3A_305 : i32
    %add3A_307 = arith.constant 256 : i32
    %add3A_308 = arith.addi %add3A_307, %mul3A_306 : i32
    %add3A_309 = arith.constant 30 : i32
    %add3A_310 = arith.addi %add3A_308, %add3A_309 : i32
    %get3A_311 = arith.index_cast %add3A_310 : i32 to index
    %get3A_312 = memref.load %arg1[%get3A_311] : memref<512xi32, #tpu.memory_space<smem>>
    %mul3A_313 = arith.constant 32 : i32
    %mul3A_314 = arith.muli %arg0, %mul3A_313 : i32
    %add3A_315 = arith.constant 256 : i32
    %add3A_316 = arith.addi %add3A_315, %mul3A_314 : i32
    %add3A_317 = arith.constant 31 : i32
    %add3A_318 = arith.addi %add3A_316, %add3A_317 : i32
    %get3A_319 = arith.index_cast %add3A_318 : i32 to index
    %get3A_320 = memref.load %arg1[%get3A_319] : memref<512xi32, #tpu.memory_space<smem>>
    %iota3A_321 = tpu.iota {dimensions = array<i32: 1>} : vector<1x128xi32>
    %shift_right_arithmetic3A = arith.constant 7 : i32
    %shift_right_arithmetic3A_322 = arith.shrsi %get3A_72, %shift_right_arithmetic3A : i32
    %shift_left3A = arith.constant 7 : i32
    %shift_left3A_323 = arith.shli %shift_right_arithmetic3A_322, %shift_left3A : i32
    %multiple_of3A = tpu.assume_multiple %shift_left3A_323, 128 : i32
    %get3A_324 = arith.constant 0 : index
    %get3A_325 = arith.index_cast %multiple_of3A : i32 to index
    %get3A_326 = vector.load %arg2[%get3A_324, %get3A_325] : memref<32x100000xf32, #tpu.memory_space<vmem>>, vector<1x128xf32>
    %and3A = arith.constant 127 : i32
    %and3A_327 = arith.andi %get3A_72, %and3A : i32
    %eq3A = vector.broadcast %and3A_327 : i32 to vector<1x128xi32>
    %eq3A_328 = arith.cmpi eq, %iota3A_321, %eq3A : vector<1x128xi32>
    %jit3A_329 = arith.constant 0.000000e+00 : f32
    %broadcast_in_dim3A_330 = vector.broadcast %jit3A_329 : f32 to vector<1x128xf32>
    %select_n3A_331 = arith.select %eq3A_328, %get3A_326, %broadcast_in_dim3A_330 : vector<1x128xi1>, vector<1x128xf32>
    %reduce_sum3A_332 = arith.constant dense<0.000000e+00> : vector<1xf32>
    %reduce_sum3A_333 = vector.multi_reduction <add>, %select_n3A_331, %reduce_sum3A_332 [1] : vector<1x128xf32> to vector<1xf32>
    %broadcast_in_dim3A_334 = vector.shape_cast %reduce_sum3A_333 : vector<1xf32> to vector<1x1xf32>
    %shift_right_arithmetic3A_335 = arith.constant 7 : i32
    %shift_right_arithmetic3A_336 = arith.shrsi %get3A_80, %shift_right_arithmetic3A_335 : i32
    %shift_left3A_337 = arith.constant 7 : i32
    %shift_left3A_338 = arith.shli %shift_right_arithmetic3A_336, %shift_left3A_337 : i32
    %multiple_of3A_339 = tpu.assume_multiple %shift_left3A_338, 128 : i32
    %get3A_340 = arith.constant 1 : index
    %get3A_341 = arith.index_cast %multiple_of3A_339 : i32 to index
    %get3A_342 = vector.load %arg2[%get3A_340, %get3A_341] : memref<32x100000xf32, #tpu.memory_space<vmem>>, vector<1x128xf32>
    %and3A_343 = arith.constant 127 : i32
    %and3A_344 = arith.andi %get3A_80, %and3A_343 : i32
    %eq3A_345 = vector.broadcast %and3A_344 : i32 to vector<1x128xi32>
    %eq3A_346 = arith.cmpi eq, %iota3A_321, %eq3A_345 : vector<1x128xi32>
    %jit3A_347 = arith.constant 0.000000e+00 : f32
    %broadcast_in_dim3A_348 = vector.broadcast %jit3A_347 : f32 to vector<1x128xf32>
    %select_n3A_349 = arith.select %eq3A_346, %get3A_342, %broadcast_in_dim3A_348 : vector<1x128xi1>, vector<1x128xf32>
    %reduce_sum3A_350 = arith.constant dense<0.000000e+00> : vector<1xf32>
    %reduce_sum3A_351 = vector.multi_reduction <add>, %select_n3A_349, %reduce_sum3A_350 [1] : vector<1x128xf32> to vector<1xf32>
    %broadcast_in_dim3A_352 = vector.shape_cast %reduce_sum3A_351 : vector<1xf32> to vector<1x1xf32>
    %shift_right_arithmetic3A_353 = arith.constant 7 : i32
    %shift_right_arithmetic3A_354 = arith.shrsi %get3A_88, %shift_right_arithmetic3A_353 : i32
    %shift_left3A_355 = arith.constant 7 : i32
    %shift_left3A_356 = arith.shli %shift_right_arithmetic3A_354, %shift_left3A_355 : i32
    %multiple_of3A_357 = tpu.assume_multiple %shift_left3A_356, 128 : i32
    %get3A_358 = arith.constant 2 : index
    %get3A_359 = arith.index_cast %multiple_of3A_357 : i32 to index
    %get3A_360 = vector.load %arg2[%get3A_358, %get3A_359] : memref<32x100000xf32, #tpu.memory_space<vmem>>, vector<1x128xf32>
    %and3A_361 = arith.constant 127 : i32
    %and3A_362 = arith.andi %get3A_88, %and3A_361 : i32
    %eq3A_363 = vector.broadcast %and3A_362 : i32 to vector<1x128xi32>
    %eq3A_364 = arith.cmpi eq, %iota3A_321, %eq3A_363 : vector<1x128xi32>
    %jit3A_365 = arith.constant 0.000000e+00 : f32
    %broadcast_in_dim3A_366 = vector.broadcast %jit3A_365 : f32 to vector<1x128xf32>
    %select_n3A_367 = arith.select %eq3A_364, %get3A_360, %broadcast_in_dim3A_366 : vector<1x128xi1>, vector<1x128xf32>
    %reduce_sum3A_368 = arith.constant dense<0.000000e+00> : vector<1xf32>
    %reduce_sum3A_369 = vector.multi_reduction <add>, %select_n3A_367, %reduce_sum3A_368 [1] : vector<1x128xf32> to vector<1xf32>
    %broadcast_in_dim3A_370 = vector.shape_cast %reduce_sum3A_369 : vector<1xf32> to vector<1x1xf32>
    %shift_right_arithmetic3A_371 = arith.constant 7 : i32
    %shift_right_arithmetic3A_372 = arith.shrsi %get3A_96, %shift_right_arithmetic3A_371 : i32
    %shift_left3A_373 = arith.constant 7 : i32
    %shift_left3A_374 = arith.shli %shift_right_arithmetic3A_372, %shift_left3A_373 : i32
    %multiple_of3A_375 = tpu.assume_multiple %shift_left3A_374, 128 : i32
    %get3A_376 = arith.constant 3 : index
    %get3A_377 = arith.index_cast %multiple_of3A_375 : i32 to index
    %get3A_378 = vector.load %arg2[%get3A_376, %get3A_377] : memref<32x100000xf32, #tpu.memory_space<vmem>>, vector<1x128xf32>
    %and3A_379 = arith.constant 127 : i32
    %and3A_380 = arith.andi %get3A_96, %and3A_379 : i32
    %eq3A_381 = vector.broadcast %and3A_380 : i32 to vector<1x128xi32>
    %eq3A_382 = arith.cmpi eq, %iota3A_321, %eq3A_381 : vector<1x128xi32>
    %jit3A_383 = arith.constant 0.000000e+00 : f32
    %broadcast_in_dim3A_384 = vector.broadcast %jit3A_383 : f32 to vector<1x128xf32>
    %select_n3A_385 = arith.select %eq3A_382, %get3A_378, %broadcast_in_dim3A_384 : vector<1x128xi1>, vector<1x128xf32>
    %reduce_sum3A_386 = arith.constant dense<0.000000e+00> : vector<1xf32>
    %reduce_sum3A_387 = vector.multi_reduction <add>, %select_n3A_385, %reduce_sum3A_386 [1] : vector<1x128xf32> to vector<1xf32>
    %broadcast_in_dim3A_388 = vector.shape_cast %reduce_sum3A_387 : vector<1xf32> to vector<1x1xf32>
    %shift_right_arithmetic3A_389 = arith.constant 7 : i32
    %shift_right_arithmetic3A_390 = arith.shrsi %get3A_104, %shift_right_arithmetic3A_389 : i32
    %shift_left3A_391 = arith.constant 7 : i32
    %shift_left3A_392 = arith.shli %shift_right_arithmetic3A_390, %shift_left3A_391 : i32
    %multiple_of3A_393 = tpu.assume_multiple %shift_left3A_392, 128 : i32
    %get3A_394 = arith.constant 4 : index
    %get3A_395 = arith.index_cast %multiple_of3A_393 : i32 to index
    %get3A_396 = vector.load %arg2[%get3A_394, %get3A_395] : memref<32x100000xf32, #tpu.memory_space<vmem>>, vector<1x128xf32>
    %and3A_397 = arith.constant 127 : i32
    %and3A_398 = arith.andi %get3A_104, %and3A_397 : i32
    %eq3A_399 = vector.broadcast %and3A_398 : i32 to vector<1x128xi32>
    %eq3A_400 = arith.cmpi eq, %iota3A_321, %eq3A_399 : vector<1x128xi32>
    %jit3A_401 = arith.constant 0.000000e+00 : f32
    %broadcast_in_dim3A_402 = vector.broadcast %jit3A_401 : f32 to vector<1x128xf32>
    %select_n3A_403 = arith.select %eq3A_400, %get3A_396, %broadcast_in_dim3A_402 : vector<1x128xi1>, vector<1x128xf32>
    %reduce_sum3A_404 = arith.constant dense<0.000000e+00> : vector<1xf32>
    %reduce_sum3A_405 = vector.multi_reduction <add>, %select_n3A_403, %reduce_sum3A_404 [1] : vector<1x128xf32> to vector<1xf32>
    %broadcast_in_dim3A_406 = vector.shape_cast %reduce_sum3A_405 : vector<1xf32> to vector<1x1xf32>
    %shift_right_arithmetic3A_407 = arith.constant 7 : i32
    %shift_right_arithmetic3A_408 = arith.shrsi %get3A_112, %shift_right_arithmetic3A_407 : i32
    %shift_left3A_409 = arith.constant 7 : i32
    %shift_left3A_410 = arith.shli %shift_right_arithmetic3A_408, %shift_left3A_409 : i32
    %multiple_of3A_411 = tpu.assume_multiple %shift_left3A_410, 128 : i32
    %get3A_412 = arith.constant 5 : index
    %get3A_413 = arith.index_cast %multiple_of3A_411 : i32 to index
    %get3A_414 = vector.load %arg2[%get3A_412, %get3A_413] : memref<32x100000xf32, #tpu.memory_space<vmem>>, vector<1x128xf32>
    %and3A_415 = arith.constant 127 : i32
    %and3A_416 = arith.andi %get3A_112, %and3A_415 : i32
    %eq3A_417 = vector.broadcast %and3A_416 : i32 to vector<1x128xi32>
    %eq3A_418 = arith.cmpi eq, %iota3A_321, %eq3A_417 : vector<1x128xi32>
    %jit3A_419 = arith.constant 0.000000e+00 : f32
    %broadcast_in_dim3A_420 = vector.broadcast %jit3A_419 : f32 to vector<1x128xf32>
    %select_n3A_421 = arith.select %eq3A_418, %get3A_414, %broadcast_in_dim3A_420 : vector<1x128xi1>, vector<1x128xf32>
    %reduce_sum3A_422 = arith.constant dense<0.000000e+00> : vector<1xf32>
    %reduce_sum3A_423 = vector.multi_reduction <add>, %select_n3A_421, %reduce_sum3A_422 [1] : vector<1x128xf32> to vector<1xf32>
    %broadcast_in_dim3A_424 = vector.shape_cast %reduce_sum3A_423 : vector<1xf32> to vector<1x1xf32>
    %shift_right_arithmetic3A_425 = arith.constant 7 : i32
    %shift_right_arithmetic3A_426 = arith.shrsi %get3A_120, %shift_right_arithmetic3A_425 : i32
    %shift_left3A_427 = arith.constant 7 : i32
    %shift_left3A_428 = arith.shli %shift_right_arithmetic3A_426, %shift_left3A_427 : i32
    %multiple_of3A_429 = tpu.assume_multiple %shift_left3A_428, 128 : i32
    %get3A_430 = arith.constant 6 : index
    %get3A_431 = arith.index_cast %multiple_of3A_429 : i32 to index
    %get3A_432 = vector.load %arg2[%get3A_430, %get3A_431] : memref<32x100000xf32, #tpu.memory_space<vmem>>, vector<1x128xf32>
    %and3A_433 = arith.constant 127 : i32
    %and3A_434 = arith.andi %get3A_120, %and3A_433 : i32
    %eq3A_435 = vector.broadcast %and3A_434 : i32 to vector<1x128xi32>
    %eq3A_436 = arith.cmpi eq, %iota3A_321, %eq3A_435 : vector<1x128xi32>
    %jit3A_437 = arith.constant 0.000000e+00 : f32
    %broadcast_in_dim3A_438 = vector.broadcast %jit3A_437 : f32 to vector<1x128xf32>
    %select_n3A_439 = arith.select %eq3A_436, %get3A_432, %broadcast_in_dim3A_438 : vector<1x128xi1>, vector<1x128xf32>
    %reduce_sum3A_440 = arith.constant dense<0.000000e+00> : vector<1xf32>
    %reduce_sum3A_441 = vector.multi_reduction <add>, %select_n3A_439, %reduce_sum3A_440 [1] : vector<1x128xf32> to vector<1xf32>
    %broadcast_in_dim3A_442 = vector.shape_cast %reduce_sum3A_441 : vector<1xf32> to vector<1x1xf32>
    %shift_right_arithmetic3A_443 = arith.constant 7 : i32
    %shift_right_arithmetic3A_444 = arith.shrsi %get3A_128, %shift_right_arithmetic3A_443 : i32
    %shift_left3A_445 = arith.constant 7 : i32
    %shift_left3A_446 = arith.shli %shift_right_arithmetic3A_444, %shift_left3A_445 : i32
    %multiple_of3A_447 = tpu.assume_multiple %shift_left3A_446, 128 : i32
    %get3A_448 = arith.constant 7 : index
    %get3A_449 = arith.index_cast %multiple_of3A_447 : i32 to index
    %get3A_450 = vector.load %arg2[%get3A_448, %get3A_449] : memref<32x100000xf32, #tpu.memory_space<vmem>>, vector<1x128xf32>
    %and3A_451 = arith.constant 127 : i32
    %and3A_452 = arith.andi %get3A_128, %and3A_451 : i32
    %eq3A_453 = vector.broadcast %and3A_452 : i32 to vector<1x128xi32>
    %eq3A_454 = arith.cmpi eq, %iota3A_321, %eq3A_453 : vector<1x128xi32>
    %jit3A_455 = arith.constant 0.000000e+00 : f32
    %broadcast_in_dim3A_456 = vector.broadcast %jit3A_455 : f32 to vector<1x128xf32>
    %select_n3A_457 = arith.select %eq3A_454, %get3A_450, %broadcast_in_dim3A_456 : vector<1x128xi1>, vector<1x128xf32>
    %reduce_sum3A_458 = arith.constant dense<0.000000e+00> : vector<1xf32>
    %reduce_sum3A_459 = vector.multi_reduction <add>, %select_n3A_457, %reduce_sum3A_458 [1] : vector<1x128xf32> to vector<1xf32>
    %broadcast_in_dim3A_460 = vector.shape_cast %reduce_sum3A_459 : vector<1xf32> to vector<1x1xf32>
    %shift_right_arithmetic3A_461 = arith.constant 7 : i32
    %shift_right_arithmetic3A_462 = arith.shrsi %get3A_136, %shift_right_arithmetic3A_461 : i32
    %shift_left3A_463 = arith.constant 7 : i32
    %shift_left3A_464 = arith.shli %shift_right_arithmetic3A_462, %shift_left3A_463 : i32
    %multiple_of3A_465 = tpu.assume_multiple %shift_left3A_464, 128 : i32
    %get3A_466 = arith.constant 8 : index
    %get3A_467 = arith.index_cast %multiple_of3A_465 : i32 to index
    %get3A_468 = vector.load %arg2[%get3A_466, %get3A_467] : memref<32x100000xf32, #tpu.memory_space<vmem>>, vector<1x128xf32>
    %and3A_469 = arith.constant 127 : i32
    %and3A_470 = arith.andi %get3A_136, %and3A_469 : i32
    %eq3A_471 = vector.broadcast %and3A_470 : i32 to vector<1x128xi32>
    %eq3A_472 = arith.cmpi eq, %iota3A_321, %eq3A_471 : vector<1x128xi32>
    %jit3A_473 = arith.constant 0.000000e+00 : f32
    %broadcast_in_dim3A_474 = vector.broadcast %jit3A_473 : f32 to vector<1x128xf32>
    %select_n3A_475 = arith.select %eq3A_472, %get3A_468, %broadcast_in_dim3A_474 : vector<1x128xi1>, vector<1x128xf32>
    %reduce_sum3A_476 = arith.constant dense<0.000000e+00> : vector<1xf32>
    %reduce_sum3A_477 = vector.multi_reduction <add>, %select_n3A_475, %reduce_sum3A_476 [1] : vector<1x128xf32> to vector<1xf32>
    %broadcast_in_dim3A_478 = vector.shape_cast %reduce_sum3A_477 : vector<1xf32> to vector<1x1xf32>
    %shift_right_arithmetic3A_479 = arith.constant 7 : i32
    %shift_right_arithmetic3A_480 = arith.shrsi %get3A_144, %shift_right_arithmetic3A_479 : i32
    %shift_left3A_481 = arith.constant 7 : i32
    %shift_left3A_482 = arith.shli %shift_right_arithmetic3A_480, %shift_left3A_481 : i32
    %multiple_of3A_483 = tpu.assume_multiple %shift_left3A_482, 128 : i32
    %get3A_484 = arith.constant 9 : index
    %get3A_485 = arith.index_cast %multiple_of3A_483 : i32 to index
    %get3A_486 = vector.load %arg2[%get3A_484, %get3A_485] : memref<32x100000xf32, #tpu.memory_space<vmem>>, vector<1x128xf32>
    %and3A_487 = arith.constant 127 : i32
    %and3A_488 = arith.andi %get3A_144, %and3A_487 : i32
    %eq3A_489 = vector.broadcast %and3A_488 : i32 to vector<1x128xi32>
    %eq3A_490 = arith.cmpi eq, %iota3A_321, %eq3A_489 : vector<1x128xi32>
    %jit3A_491 = arith.constant 0.000000e+00 : f32
    %broadcast_in_dim3A_492 = vector.broadcast %jit3A_491 : f32 to vector<1x128xf32>
    %select_n3A_493 = arith.select %eq3A_490, %get3A_486, %broadcast_in_dim3A_492 : vector<1x128xi1>, vector<1x128xf32>
    %reduce_sum3A_494 = arith.constant dense<0.000000e+00> : vector<1xf32>
    %reduce_sum3A_495 = vector.multi_reduction <add>, %select_n3A_493, %reduce_sum3A_494 [1] : vector<1x128xf32> to vector<1xf32>
    %broadcast_in_dim3A_496 = vector.shape_cast %reduce_sum3A_495 : vector<1xf32> to vector<1x1xf32>
    %shift_right_arithmetic3A_497 = arith.constant 7 : i32
    %shift_right_arithmetic3A_498 = arith.shrsi %get3A_152, %shift_right_arithmetic3A_497 : i32
    %shift_left3A_499 = arith.constant 7 : i32
    %shift_left3A_500 = arith.shli %shift_right_arithmetic3A_498, %shift_left3A_499 : i32
    %multiple_of3A_501 = tpu.assume_multiple %shift_left3A_500, 128 : i32
    %get3A_502 = arith.constant 10 : index
    %get3A_503 = arith.index_cast %multiple_of3A_501 : i32 to index
    %get3A_504 = vector.load %arg2[%get3A_502, %get3A_503] : memref<32x100000xf32, #tpu.memory_space<vmem>>, vector<1x128xf32>
    %and3A_505 = arith.constant 127 : i32
    %and3A_506 = arith.andi %get3A_152, %and3A_505 : i32
    %eq3A_507 = vector.broadcast %and3A_506 : i32 to vector<1x128xi32>
    %eq3A_508 = arith.cmpi eq, %iota3A_321, %eq3A_507 : vector<1x128xi32>
    %jit3A_509 = arith.constant 0.000000e+00 : f32
    %broadcast_in_dim3A_510 = vector.broadcast %jit3A_509 : f32 to vector<1x128xf32>
    %select_n3A_511 = arith.select %eq3A_508, %get3A_504, %broadcast_in_dim3A_510 : vector<1x128xi1>, vector<1x128xf32>
    %reduce_sum3A_512 = arith.constant dense<0.000000e+00> : vector<1xf32>
    %reduce_sum3A_513 = vector.multi_reduction <add>, %select_n3A_511, %reduce_sum3A_512 [1] : vector<1x128xf32> to vector<1xf32>
    %broadcast_in_dim3A_514 = vector.shape_cast %reduce_sum3A_513 : vector<1xf32> to vector<1x1xf32>
    %shift_right_arithmetic3A_515 = arith.constant 7 : i32
    %shift_right_arithmetic3A_516 = arith.shrsi %get3A_160, %shift_right_arithmetic3A_515 : i32
    %shift_left3A_517 = arith.constant 7 : i32
    %shift_left3A_518 = arith.shli %shift_right_arithmetic3A_516, %shift_left3A_517 : i32
    %multiple_of3A_519 = tpu.assume_multiple %shift_left3A_518, 128 : i32
    %get3A_520 = arith.constant 11 : index
    %get3A_521 = arith.index_cast %multiple_of3A_519 : i32 to index
    %get3A_522 = vector.load %arg2[%get3A_520, %get3A_521] : memref<32x100000xf32, #tpu.memory_space<vmem>>, vector<1x128xf32>
    %and3A_523 = arith.constant 127 : i32
    %and3A_524 = arith.andi %get3A_160, %and3A_523 : i32
    %eq3A_525 = vector.broadcast %and3A_524 : i32 to vector<1x128xi32>
    %eq3A_526 = arith.cmpi eq, %iota3A_321, %eq3A_525 : vector<1x128xi32>
    %jit3A_527 = arith.constant 0.000000e+00 : f32
    %broadcast_in_dim3A_528 = vector.broadcast %jit3A_527 : f32 to vector<1x128xf32>
    %select_n3A_529 = arith.select %eq3A_526, %get3A_522, %broadcast_in_dim3A_528 : vector<1x128xi1>, vector<1x128xf32>
    %reduce_sum3A_530 = arith.constant dense<0.000000e+00> : vector<1xf32>
    %reduce_sum3A_531 = vector.multi_reduction <add>, %select_n3A_529, %reduce_sum3A_530 [1] : vector<1x128xf32> to vector<1xf32>
    %broadcast_in_dim3A_532 = vector.shape_cast %reduce_sum3A_531 : vector<1xf32> to vector<1x1xf32>
    %shift_right_arithmetic3A_533 = arith.constant 7 : i32
    %shift_right_arithmetic3A_534 = arith.shrsi %get3A_168, %shift_right_arithmetic3A_533 : i32
    %shift_left3A_535 = arith.constant 7 : i32
    %shift_left3A_536 = arith.shli %shift_right_arithmetic3A_534, %shift_left3A_535 : i32
    %multiple_of3A_537 = tpu.assume_multiple %shift_left3A_536, 128 : i32
    %get3A_538 = arith.constant 12 : index
    %get3A_539 = arith.index_cast %multiple_of3A_537 : i32 to index
    %get3A_540 = vector.load %arg2[%get3A_538, %get3A_539] : memref<32x100000xf32, #tpu.memory_space<vmem>>, vector<1x128xf32>
    %and3A_541 = arith.constant 127 : i32
    %and3A_542 = arith.andi %get3A_168, %and3A_541 : i32
    %eq3A_543 = vector.broadcast %and3A_542 : i32 to vector<1x128xi32>
    %eq3A_544 = arith.cmpi eq, %iota3A_321, %eq3A_543 : vector<1x128xi32>
    %jit3A_545 = arith.constant 0.000000e+00 : f32
    %broadcast_in_dim3A_546 = vector.broadcast %jit3A_545 : f32 to vector<1x128xf32>
    %select_n3A_547 = arith.select %eq3A_544, %get3A_540, %broadcast_in_dim3A_546 : vector<1x128xi1>, vector<1x128xf32>
    %reduce_sum3A_548 = arith.constant dense<0.000000e+00> : vector<1xf32>
    %reduce_sum3A_549 = vector.multi_reduction <add>, %select_n3A_547, %reduce_sum3A_548 [1] : vector<1x128xf32> to vector<1xf32>
    %broadcast_in_dim3A_550 = vector.shape_cast %reduce_sum3A_549 : vector<1xf32> to vector<1x1xf32>
    %shift_right_arithmetic3A_551 = arith.constant 7 : i32
    %shift_right_arithmetic3A_552 = arith.shrsi %get3A_176, %shift_right_arithmetic3A_551 : i32
    %shift_left3A_553 = arith.constant 7 : i32
    %shift_left3A_554 = arith.shli %shift_right_arithmetic3A_552, %shift_left3A_553 : i32
    %multiple_of3A_555 = tpu.assume_multiple %shift_left3A_554, 128 : i32
    %get3A_556 = arith.constant 13 : index
    %get3A_557 = arith.index_cast %multiple_of3A_555 : i32 to index
    %get3A_558 = vector.load %arg2[%get3A_556, %get3A_557] : memref<32x100000xf32, #tpu.memory_space<vmem>>, vector<1x128xf32>
    %and3A_559 = arith.constant 127 : i32
    %and3A_560 = arith.andi %get3A_176, %and3A_559 : i32
    %eq3A_561 = vector.broadcast %and3A_560 : i32 to vector<1x128xi32>
    %eq3A_562 = arith.cmpi eq, %iota3A_321, %eq3A_561 : vector<1x128xi32>
    %jit3A_563 = arith.constant 0.000000e+00 : f32
    %broadcast_in_dim3A_564 = vector.broadcast %jit3A_563 : f32 to vector<1x128xf32>
    %select_n3A_565 = arith.select %eq3A_562, %get3A_558, %broadcast_in_dim3A_564 : vector<1x128xi1>, vector<1x128xf32>
    %reduce_sum3A_566 = arith.constant dense<0.000000e+00> : vector<1xf32>
    %reduce_sum3A_567 = vector.multi_reduction <add>, %select_n3A_565, %reduce_sum3A_566 [1] : vector<1x128xf32> to vector<1xf32>
    %broadcast_in_dim3A_568 = vector.shape_cast %reduce_sum3A_567 : vector<1xf32> to vector<1x1xf32>
    %shift_right_arithmetic3A_569 = arith.constant 7 : i32
    %shift_right_arithmetic3A_570 = arith.shrsi %get3A_184, %shift_right_arithmetic3A_569 : i32
    %shift_left3A_571 = arith.constant 7 : i32
    %shift_left3A_572 = arith.shli %shift_right_arithmetic3A_570, %shift_left3A_571 : i32
    %multiple_of3A_573 = tpu.assume_multiple %shift_left3A_572, 128 : i32
    %get3A_574 = arith.constant 14 : index
    %get3A_575 = arith.index_cast %multiple_of3A_573 : i32 to index
    %get3A_576 = vector.load %arg2[%get3A_574, %get3A_575] : memref<32x100000xf32, #tpu.memory_space<vmem>>, vector<1x128xf32>
    %and3A_577 = arith.constant 127 : i32
    %and3A_578 = arith.andi %get3A_184, %and3A_577 : i32
    %eq3A_579 = vector.broadcast %and3A_578 : i32 to vector<1x128xi32>
    %eq3A_580 = arith.cmpi eq, %iota3A_321, %eq3A_579 : vector<1x128xi32>
    %jit3A_581 = arith.constant 0.000000e+00 : f32
    %broadcast_in_dim3A_582 = vector.broadcast %jit3A_581 : f32 to vector<1x128xf32>
    %select_n3A_583 = arith.select %eq3A_580, %get3A_576, %broadcast_in_dim3A_582 : vector<1x128xi1>, vector<1x128xf32>
    %reduce_sum3A_584 = arith.constant dense<0.000000e+00> : vector<1xf32>
    %reduce_sum3A_585 = vector.multi_reduction <add>, %select_n3A_583, %reduce_sum3A_584 [1] : vector<1x128xf32> to vector<1xf32>
    %broadcast_in_dim3A_586 = vector.shape_cast %reduce_sum3A_585 : vector<1xf32> to vector<1x1xf32>
    %shift_right_arithmetic3A_587 = arith.constant 7 : i32
    %shift_right_arithmetic3A_588 = arith.shrsi %get3A_192, %shift_right_arithmetic3A_587 : i32
    %shift_left3A_589 = arith.constant 7 : i32
    %shift_left3A_590 = arith.shli %shift_right_arithmetic3A_588, %shift_left3A_589 : i32
    %multiple_of3A_591 = tpu.assume_multiple %shift_left3A_590, 128 : i32
    %get3A_592 = arith.constant 15 : index
    %get3A_593 = arith.index_cast %multiple_of3A_591 : i32 to index
    %get3A_594 = vector.load %arg2[%get3A_592, %get3A_593] : memref<32x100000xf32, #tpu.memory_space<vmem>>, vector<1x128xf32>
    %and3A_595 = arith.constant 127 : i32
    %and3A_596 = arith.andi %get3A_192, %and3A_595 : i32
    %eq3A_597 = vector.broadcast %and3A_596 : i32 to vector<1x128xi32>
    %eq3A_598 = arith.cmpi eq, %iota3A_321, %eq3A_597 : vector<1x128xi32>
    %jit3A_599 = arith.constant 0.000000e+00 : f32
    %broadcast_in_dim3A_600 = vector.broadcast %jit3A_599 : f32 to vector<1x128xf32>
    %select_n3A_601 = arith.select %eq3A_598, %get3A_594, %broadcast_in_dim3A_600 : vector<1x128xi1>, vector<1x128xf32>
    %reduce_sum3A_602 = arith.constant dense<0.000000e+00> : vector<1xf32>
    %reduce_sum3A_603 = vector.multi_reduction <add>, %select_n3A_601, %reduce_sum3A_602 [1] : vector<1x128xf32> to vector<1xf32>
    %broadcast_in_dim3A_604 = vector.shape_cast %reduce_sum3A_603 : vector<1xf32> to vector<1x1xf32>
    %shift_right_arithmetic3A_605 = arith.constant 7 : i32
    %shift_right_arithmetic3A_606 = arith.shrsi %get3A_200, %shift_right_arithmetic3A_605 : i32
    %shift_left3A_607 = arith.constant 7 : i32
    %shift_left3A_608 = arith.shli %shift_right_arithmetic3A_606, %shift_left3A_607 : i32
    %multiple_of3A_609 = tpu.assume_multiple %shift_left3A_608, 128 : i32
    %get3A_610 = arith.constant 16 : index
    %get3A_611 = arith.index_cast %multiple_of3A_609 : i32 to index
    %get3A_612 = vector.load %arg2[%get3A_610, %get3A_611] : memref<32x100000xf32, #tpu.memory_space<vmem>>, vector<1x128xf32>
    %and3A_613 = arith.constant 127 : i32
    %and3A_614 = arith.andi %get3A_200, %and3A_613 : i32
    %eq3A_615 = vector.broadcast %and3A_614 : i32 to vector<1x128xi32>
    %eq3A_616 = arith.cmpi eq, %iota3A_321, %eq3A_615 : vector<1x128xi32>
    %jit3A_617 = arith.constant 0.000000e+00 : f32
    %broadcast_in_dim3A_618 = vector.broadcast %jit3A_617 : f32 to vector<1x128xf32>
    %select_n3A_619 = arith.select %eq3A_616, %get3A_612, %broadcast_in_dim3A_618 : vector<1x128xi1>, vector<1x128xf32>
    %reduce_sum3A_620 = arith.constant dense<0.000000e+00> : vector<1xf32>
    %reduce_sum3A_621 = vector.multi_reduction <add>, %select_n3A_619, %reduce_sum3A_620 [1] : vector<1x128xf32> to vector<1xf32>
    %broadcast_in_dim3A_622 = vector.shape_cast %reduce_sum3A_621 : vector<1xf32> to vector<1x1xf32>
    %shift_right_arithmetic3A_623 = arith.constant 7 : i32
    %shift_right_arithmetic3A_624 = arith.shrsi %get3A_208, %shift_right_arithmetic3A_623 : i32
    %shift_left3A_625 = arith.constant 7 : i32
    %shift_left3A_626 = arith.shli %shift_right_arithmetic3A_624, %shift_left3A_625 : i32
    %multiple_of3A_627 = tpu.assume_multiple %shift_left3A_626, 128 : i32
    %get3A_628 = arith.constant 17 : index
    %get3A_629 = arith.index_cast %multiple_of3A_627 : i32 to index
    %get3A_630 = vector.load %arg2[%get3A_628, %get3A_629] : memref<32x100000xf32, #tpu.memory_space<vmem>>, vector<1x128xf32>
    %and3A_631 = arith.constant 127 : i32
    %and3A_632 = arith.andi %get3A_208, %and3A_631 : i32
    %eq3A_633 = vector.broadcast %and3A_632 : i32 to vector<1x128xi32>
    %eq3A_634 = arith.cmpi eq, %iota3A_321, %eq3A_633 : vector<1x128xi32>
    %jit3A_635 = arith.constant 0.000000e+00 : f32
    %broadcast_in_dim3A_636 = vector.broadcast %jit3A_635 : f32 to vector<1x128xf32>
    %select_n3A_637 = arith.select %eq3A_634, %get3A_630, %broadcast_in_dim3A_636 : vector<1x128xi1>, vector<1x128xf32>
    %reduce_sum3A_638 = arith.constant dense<0.000000e+00> : vector<1xf32>
    %reduce_sum3A_639 = vector.multi_reduction <add>, %select_n3A_637, %reduce_sum3A_638 [1] : vector<1x128xf32> to vector<1xf32>
    %broadcast_in_dim3A_640 = vector.shape_cast %reduce_sum3A_639 : vector<1xf32> to vector<1x1xf32>
    %shift_right_arithmetic3A_641 = arith.constant 7 : i32
    %shift_right_arithmetic3A_642 = arith.shrsi %get3A_216, %shift_right_arithmetic3A_641 : i32
    %shift_left3A_643 = arith.constant 7 : i32
    %shift_left3A_644 = arith.shli %shift_right_arithmetic3A_642, %shift_left3A_643 : i32
    %multiple_of3A_645 = tpu.assume_multiple %shift_left3A_644, 128 : i32
    %get3A_646 = arith.constant 18 : index
    %get3A_647 = arith.index_cast %multiple_of3A_645 : i32 to index
    %get3A_648 = vector.load %arg2[%get3A_646, %get3A_647] : memref<32x100000xf32, #tpu.memory_space<vmem>>, vector<1x128xf32>
    %and3A_649 = arith.constant 127 : i32
    %and3A_650 = arith.andi %get3A_216, %and3A_649 : i32
    %eq3A_651 = vector.broadcast %and3A_650 : i32 to vector<1x128xi32>
    %eq3A_652 = arith.cmpi eq, %iota3A_321, %eq3A_651 : vector<1x128xi32>
    %jit3A_653 = arith.constant 0.000000e+00 : f32
    %broadcast_in_dim3A_654 = vector.broadcast %jit3A_653 : f32 to vector<1x128xf32>
    %select_n3A_655 = arith.select %eq3A_652, %get3A_648, %broadcast_in_dim3A_654 : vector<1x128xi1>, vector<1x128xf32>
    %reduce_sum3A_656 = arith.constant dense<0.000000e+00> : vector<1xf32>
    %reduce_sum3A_657 = vector.multi_reduction <add>, %select_n3A_655, %reduce_sum3A_656 [1] : vector<1x128xf32> to vector<1xf32>
    %broadcast_in_dim3A_658 = vector.shape_cast %reduce_sum3A_657 : vector<1xf32> to vector<1x1xf32>
    %shift_right_arithmetic3A_659 = arith.constant 7 : i32
    %shift_right_arithmetic3A_660 = arith.shrsi %get3A_224, %shift_right_arithmetic3A_659 : i32
    %shift_left3A_661 = arith.constant 7 : i32
    %shift_left3A_662 = arith.shli %shift_right_arithmetic3A_660, %shift_left3A_661 : i32
    %multiple_of3A_663 = tpu.assume_multiple %shift_left3A_662, 128 : i32
    %get3A_664 = arith.constant 19 : index
    %get3A_665 = arith.index_cast %multiple_of3A_663 : i32 to index
    %get3A_666 = vector.load %arg2[%get3A_664, %get3A_665] : memref<32x100000xf32, #tpu.memory_space<vmem>>, vector<1x128xf32>
    %and3A_667 = arith.constant 127 : i32
    %and3A_668 = arith.andi %get3A_224, %and3A_667 : i32
    %eq3A_669 = vector.broadcast %and3A_668 : i32 to vector<1x128xi32>
    %eq3A_670 = arith.cmpi eq, %iota3A_321, %eq3A_669 : vector<1x128xi32>
    %jit3A_671 = arith.constant 0.000000e+00 : f32
    %broadcast_in_dim3A_672 = vector.broadcast %jit3A_671 : f32 to vector<1x128xf32>
    %select_n3A_673 = arith.select %eq3A_670, %get3A_666, %broadcast_in_dim3A_672 : vector<1x128xi1>, vector<1x128xf32>
    %reduce_sum3A_674 = arith.constant dense<0.000000e+00> : vector<1xf32>
    %reduce_sum3A_675 = vector.multi_reduction <add>, %select_n3A_673, %reduce_sum3A_674 [1] : vector<1x128xf32> to vector<1xf32>
    %broadcast_in_dim3A_676 = vector.shape_cast %reduce_sum3A_675 : vector<1xf32> to vector<1x1xf32>
    %shift_right_arithmetic3A_677 = arith.constant 7 : i32
    %shift_right_arithmetic3A_678 = arith.shrsi %get3A_232, %shift_right_arithmetic3A_677 : i32
    %shift_left3A_679 = arith.constant 7 : i32
    %shift_left3A_680 = arith.shli %shift_right_arithmetic3A_678, %shift_left3A_679 : i32
    %multiple_of3A_681 = tpu.assume_multiple %shift_left3A_680, 128 : i32
    %get3A_682 = arith.constant 20 : index
    %get3A_683 = arith.index_cast %multiple_of3A_681 : i32 to index
    %get3A_684 = vector.load %arg2[%get3A_682, %get3A_683] : memref<32x100000xf32, #tpu.memory_space<vmem>>, vector<1x128xf32>
    %and3A_685 = arith.constant 127 : i32
    %and3A_686 = arith.andi %get3A_232, %and3A_685 : i32
    %eq3A_687 = vector.broadcast %and3A_686 : i32 to vector<1x128xi32>
    %eq3A_688 = arith.cmpi eq, %iota3A_321, %eq3A_687 : vector<1x128xi32>
    %jit3A_689 = arith.constant 0.000000e+00 : f32
    %broadcast_in_dim3A_690 = vector.broadcast %jit3A_689 : f32 to vector<1x128xf32>
    %select_n3A_691 = arith.select %eq3A_688, %get3A_684, %broadcast_in_dim3A_690 : vector<1x128xi1>, vector<1x128xf32>
    %reduce_sum3A_692 = arith.constant dense<0.000000e+00> : vector<1xf32>
    %reduce_sum3A_693 = vector.multi_reduction <add>, %select_n3A_691, %reduce_sum3A_692 [1] : vector<1x128xf32> to vector<1xf32>
    %broadcast_in_dim3A_694 = vector.shape_cast %reduce_sum3A_693 : vector<1xf32> to vector<1x1xf32>
    %shift_right_arithmetic3A_695 = arith.constant 7 : i32
    %shift_right_arithmetic3A_696 = arith.shrsi %get3A_240, %shift_right_arithmetic3A_695 : i32
    %shift_left3A_697 = arith.constant 7 : i32
    %shift_left3A_698 = arith.shli %shift_right_arithmetic3A_696, %shift_left3A_697 : i32
    %multiple_of3A_699 = tpu.assume_multiple %shift_left3A_698, 128 : i32
    %get3A_700 = arith.constant 21 : index
    %get3A_701 = arith.index_cast %multiple_of3A_699 : i32 to index
    %get3A_702 = vector.load %arg2[%get3A_700, %get3A_701] : memref<32x100000xf32, #tpu.memory_space<vmem>>, vector<1x128xf32>
    %and3A_703 = arith.constant 127 : i32
    %and3A_704 = arith.andi %get3A_240, %and3A_703 : i32
    %eq3A_705 = vector.broadcast %and3A_704 : i32 to vector<1x128xi32>
    %eq3A_706 = arith.cmpi eq, %iota3A_321, %eq3A_705 : vector<1x128xi32>
    %jit3A_707 = arith.constant 0.000000e+00 : f32
    %broadcast_in_dim3A_708 = vector.broadcast %jit3A_707 : f32 to vector<1x128xf32>
    %select_n3A_709 = arith.select %eq3A_706, %get3A_702, %broadcast_in_dim3A_708 : vector<1x128xi1>, vector<1x128xf32>
    %reduce_sum3A_710 = arith.constant dense<0.000000e+00> : vector<1xf32>
    %reduce_sum3A_711 = vector.multi_reduction <add>, %select_n3A_709, %reduce_sum3A_710 [1] : vector<1x128xf32> to vector<1xf32>
    %broadcast_in_dim3A_712 = vector.shape_cast %reduce_sum3A_711 : vector<1xf32> to vector<1x1xf32>
    %shift_right_arithmetic3A_713 = arith.constant 7 : i32
    %shift_right_arithmetic3A_714 = arith.shrsi %get3A_248, %shift_right_arithmetic3A_713 : i32
    %shift_left3A_715 = arith.constant 7 : i32
    %shift_left3A_716 = arith.shli %shift_right_arithmetic3A_714, %shift_left3A_715 : i32
    %multiple_of3A_717 = tpu.assume_multiple %shift_left3A_716, 128 : i32
    %get3A_718 = arith.constant 22 : index
    %get3A_719 = arith.index_cast %multiple_of3A_717 : i32 to index
    %get3A_720 = vector.load %arg2[%get3A_718, %get3A_719] : memref<32x100000xf32, #tpu.memory_space<vmem>>, vector<1x128xf32>
    %and3A_721 = arith.constant 127 : i32
    %and3A_722 = arith.andi %get3A_248, %and3A_721 : i32
    %eq3A_723 = vector.broadcast %and3A_722 : i32 to vector<1x128xi32>
    %eq3A_724 = arith.cmpi eq, %iota3A_321, %eq3A_723 : vector<1x128xi32>
    %jit3A_725 = arith.constant 0.000000e+00 : f32
    %broadcast_in_dim3A_726 = vector.broadcast %jit3A_725 : f32 to vector<1x128xf32>
    %select_n3A_727 = arith.select %eq3A_724, %get3A_720, %broadcast_in_dim3A_726 : vector<1x128xi1>, vector<1x128xf32>
    %reduce_sum3A_728 = arith.constant dense<0.000000e+00> : vector<1xf32>
    %reduce_sum3A_729 = vector.multi_reduction <add>, %select_n3A_727, %reduce_sum3A_728 [1] : vector<1x128xf32> to vector<1xf32>
    %broadcast_in_dim3A_730 = vector.shape_cast %reduce_sum3A_729 : vector<1xf32> to vector<1x1xf32>
    %shift_right_arithmetic3A_731 = arith.constant 7 : i32
    %shift_right_arithmetic3A_732 = arith.shrsi %get3A_256, %shift_right_arithmetic3A_731 : i32
    %shift_left3A_733 = arith.constant 7 : i32
    %shift_left3A_734 = arith.shli %shift_right_arithmetic3A_732, %shift_left3A_733 : i32
    %multiple_of3A_735 = tpu.assume_multiple %shift_left3A_734, 128 : i32
    %get3A_736 = arith.constant 23 : index
    %get3A_737 = arith.index_cast %multiple_of3A_735 : i32 to index
    %get3A_738 = vector.load %arg2[%get3A_736, %get3A_737] : memref<32x100000xf32, #tpu.memory_space<vmem>>, vector<1x128xf32>
    %and3A_739 = arith.constant 127 : i32
    %and3A_740 = arith.andi %get3A_256, %and3A_739 : i32
    %eq3A_741 = vector.broadcast %and3A_740 : i32 to vector<1x128xi32>
    %eq3A_742 = arith.cmpi eq, %iota3A_321, %eq3A_741 : vector<1x128xi32>
    %jit3A_743 = arith.constant 0.000000e+00 : f32
    %broadcast_in_dim3A_744 = vector.broadcast %jit3A_743 : f32 to vector<1x128xf32>
    %select_n3A_745 = arith.select %eq3A_742, %get3A_738, %broadcast_in_dim3A_744 : vector<1x128xi1>, vector<1x128xf32>
    %reduce_sum3A_746 = arith.constant dense<0.000000e+00> : vector<1xf32>
    %reduce_sum3A_747 = vector.multi_reduction <add>, %select_n3A_745, %reduce_sum3A_746 [1] : vector<1x128xf32> to vector<1xf32>
    %broadcast_in_dim3A_748 = vector.shape_cast %reduce_sum3A_747 : vector<1xf32> to vector<1x1xf32>
    %shift_right_arithmetic3A_749 = arith.constant 7 : i32
    %shift_right_arithmetic3A_750 = arith.shrsi %get3A_264, %shift_right_arithmetic3A_749 : i32
    %shift_left3A_751 = arith.constant 7 : i32
    %shift_left3A_752 = arith.shli %shift_right_arithmetic3A_750, %shift_left3A_751 : i32
    %multiple_of3A_753 = tpu.assume_multiple %shift_left3A_752, 128 : i32
    %get3A_754 = arith.constant 24 : index
    %get3A_755 = arith.index_cast %multiple_of3A_753 : i32 to index
    %get3A_756 = vector.load %arg2[%get3A_754, %get3A_755] : memref<32x100000xf32, #tpu.memory_space<vmem>>, vector<1x128xf32>
    %and3A_757 = arith.constant 127 : i32
    %and3A_758 = arith.andi %get3A_264, %and3A_757 : i32
    %eq3A_759 = vector.broadcast %and3A_758 : i32 to vector<1x128xi32>
    %eq3A_760 = arith.cmpi eq, %iota3A_321, %eq3A_759 : vector<1x128xi32>
    %jit3A_761 = arith.constant 0.000000e+00 : f32
    %broadcast_in_dim3A_762 = vector.broadcast %jit3A_761 : f32 to vector<1x128xf32>
    %select_n3A_763 = arith.select %eq3A_760, %get3A_756, %broadcast_in_dim3A_762 : vector<1x128xi1>, vector<1x128xf32>
    %reduce_sum3A_764 = arith.constant dense<0.000000e+00> : vector<1xf32>
    %reduce_sum3A_765 = vector.multi_reduction <add>, %select_n3A_763, %reduce_sum3A_764 [1] : vector<1x128xf32> to vector<1xf32>
    %broadcast_in_dim3A_766 = vector.shape_cast %reduce_sum3A_765 : vector<1xf32> to vector<1x1xf32>
    %shift_right_arithmetic3A_767 = arith.constant 7 : i32
    %shift_right_arithmetic3A_768 = arith.shrsi %get3A_272, %shift_right_arithmetic3A_767 : i32
    %shift_left3A_769 = arith.constant 7 : i32
    %shift_left3A_770 = arith.shli %shift_right_arithmetic3A_768, %shift_left3A_769 : i32
    %multiple_of3A_771 = tpu.assume_multiple %shift_left3A_770, 128 : i32
    %get3A_772 = arith.constant 25 : index
    %get3A_773 = arith.index_cast %multiple_of3A_771 : i32 to index
    %get3A_774 = vector.load %arg2[%get3A_772, %get3A_773] : memref<32x100000xf32, #tpu.memory_space<vmem>>, vector<1x128xf32>
    %and3A_775 = arith.constant 127 : i32
    %and3A_776 = arith.andi %get3A_272, %and3A_775 : i32
    %eq3A_777 = vector.broadcast %and3A_776 : i32 to vector<1x128xi32>
    %eq3A_778 = arith.cmpi eq, %iota3A_321, %eq3A_777 : vector<1x128xi32>
    %jit3A_779 = arith.constant 0.000000e+00 : f32
    %broadcast_in_dim3A_780 = vector.broadcast %jit3A_779 : f32 to vector<1x128xf32>
    %select_n3A_781 = arith.select %eq3A_778, %get3A_774, %broadcast_in_dim3A_780 : vector<1x128xi1>, vector<1x128xf32>
    %reduce_sum3A_782 = arith.constant dense<0.000000e+00> : vector<1xf32>
    %reduce_sum3A_783 = vector.multi_reduction <add>, %select_n3A_781, %reduce_sum3A_782 [1] : vector<1x128xf32> to vector<1xf32>
    %broadcast_in_dim3A_784 = vector.shape_cast %reduce_sum3A_783 : vector<1xf32> to vector<1x1xf32>
    %shift_right_arithmetic3A_785 = arith.constant 7 : i32
    %shift_right_arithmetic3A_786 = arith.shrsi %get3A_280, %shift_right_arithmetic3A_785 : i32
    %shift_left3A_787 = arith.constant 7 : i32
    %shift_left3A_788 = arith.shli %shift_right_arithmetic3A_786, %shift_left3A_787 : i32
    %multiple_of3A_789 = tpu.assume_multiple %shift_left3A_788, 128 : i32
    %get3A_790 = arith.constant 26 : index
    %get3A_791 = arith.index_cast %multiple_of3A_789 : i32 to index
    %get3A_792 = vector.load %arg2[%get3A_790, %get3A_791] : memref<32x100000xf32, #tpu.memory_space<vmem>>, vector<1x128xf32>
    %and3A_793 = arith.constant 127 : i32
    %and3A_794 = arith.andi %get3A_280, %and3A_793 : i32
    %eq3A_795 = vector.broadcast %and3A_794 : i32 to vector<1x128xi32>
    %eq3A_796 = arith.cmpi eq, %iota3A_321, %eq3A_795 : vector<1x128xi32>
    %jit3A_797 = arith.constant 0.000000e+00 : f32
    %broadcast_in_dim3A_798 = vector.broadcast %jit3A_797 : f32 to vector<1x128xf32>
    %select_n3A_799 = arith.select %eq3A_796, %get3A_792, %broadcast_in_dim3A_798 : vector<1x128xi1>, vector<1x128xf32>
    %reduce_sum3A_800 = arith.constant dense<0.000000e+00> : vector<1xf32>
    %reduce_sum3A_801 = vector.multi_reduction <add>, %select_n3A_799, %reduce_sum3A_800 [1] : vector<1x128xf32> to vector<1xf32>
    %broadcast_in_dim3A_802 = vector.shape_cast %reduce_sum3A_801 : vector<1xf32> to vector<1x1xf32>
    %shift_right_arithmetic3A_803 = arith.constant 7 : i32
    %shift_right_arithmetic3A_804 = arith.shrsi %get3A_288, %shift_right_arithmetic3A_803 : i32
    %shift_left3A_805 = arith.constant 7 : i32
    %shift_left3A_806 = arith.shli %shift_right_arithmetic3A_804, %shift_left3A_805 : i32
    %multiple_of3A_807 = tpu.assume_multiple %shift_left3A_806, 128 : i32
    %get3A_808 = arith.constant 27 : index
    %get3A_809 = arith.index_cast %multiple_of3A_807 : i32 to index
    %get3A_810 = vector.load %arg2[%get3A_808, %get3A_809] : memref<32x100000xf32, #tpu.memory_space<vmem>>, vector<1x128xf32>
    %and3A_811 = arith.constant 127 : i32
    %and3A_812 = arith.andi %get3A_288, %and3A_811 : i32
    %eq3A_813 = vector.broadcast %and3A_812 : i32 to vector<1x128xi32>
    %eq3A_814 = arith.cmpi eq, %iota3A_321, %eq3A_813 : vector<1x128xi32>
    %jit3A_815 = arith.constant 0.000000e+00 : f32
    %broadcast_in_dim3A_816 = vector.broadcast %jit3A_815 : f32 to vector<1x128xf32>
    %select_n3A_817 = arith.select %eq3A_814, %get3A_810, %broadcast_in_dim3A_816 : vector<1x128xi1>, vector<1x128xf32>
    %reduce_sum3A_818 = arith.constant dense<0.000000e+00> : vector<1xf32>
    %reduce_sum3A_819 = vector.multi_reduction <add>, %select_n3A_817, %reduce_sum3A_818 [1] : vector<1x128xf32> to vector<1xf32>
    %broadcast_in_dim3A_820 = vector.shape_cast %reduce_sum3A_819 : vector<1xf32> to vector<1x1xf32>
    %shift_right_arithmetic3A_821 = arith.constant 7 : i32
    %shift_right_arithmetic3A_822 = arith.shrsi %get3A_296, %shift_right_arithmetic3A_821 : i32
    %shift_left3A_823 = arith.constant 7 : i32
    %shift_left3A_824 = arith.shli %shift_right_arithmetic3A_822, %shift_left3A_823 : i32
    %multiple_of3A_825 = tpu.assume_multiple %shift_left3A_824, 128 : i32
    %get3A_826 = arith.constant 28 : index
    %get3A_827 = arith.index_cast %multiple_of3A_825 : i32 to index
    %get3A_828 = vector.load %arg2[%get3A_826, %get3A_827] : memref<32x100000xf32, #tpu.memory_space<vmem>>, vector<1x128xf32>
    %and3A_829 = arith.constant 127 : i32
    %and3A_830 = arith.andi %get3A_296, %and3A_829 : i32
    %eq3A_831 = vector.broadcast %and3A_830 : i32 to vector<1x128xi32>
    %eq3A_832 = arith.cmpi eq, %iota3A_321, %eq3A_831 : vector<1x128xi32>
    %jit3A_833 = arith.constant 0.000000e+00 : f32
    %broadcast_in_dim3A_834 = vector.broadcast %jit3A_833 : f32 to vector<1x128xf32>
    %select_n3A_835 = arith.select %eq3A_832, %get3A_828, %broadcast_in_dim3A_834 : vector<1x128xi1>, vector<1x128xf32>
    %reduce_sum3A_836 = arith.constant dense<0.000000e+00> : vector<1xf32>
    %reduce_sum3A_837 = vector.multi_reduction <add>, %select_n3A_835, %reduce_sum3A_836 [1] : vector<1x128xf32> to vector<1xf32>
    %broadcast_in_dim3A_838 = vector.shape_cast %reduce_sum3A_837 : vector<1xf32> to vector<1x1xf32>
    %shift_right_arithmetic3A_839 = arith.constant 7 : i32
    %shift_right_arithmetic3A_840 = arith.shrsi %get3A_304, %shift_right_arithmetic3A_839 : i32
    %shift_left3A_841 = arith.constant 7 : i32
    %shift_left3A_842 = arith.shli %shift_right_arithmetic3A_840, %shift_left3A_841 : i32
    %multiple_of3A_843 = tpu.assume_multiple %shift_left3A_842, 128 : i32
    %get3A_844 = arith.constant 29 : index
    %get3A_845 = arith.index_cast %multiple_of3A_843 : i32 to index
    %get3A_846 = vector.load %arg2[%get3A_844, %get3A_845] : memref<32x100000xf32, #tpu.memory_space<vmem>>, vector<1x128xf32>
    %and3A_847 = arith.constant 127 : i32
    %and3A_848 = arith.andi %get3A_304, %and3A_847 : i32
    %eq3A_849 = vector.broadcast %and3A_848 : i32 to vector<1x128xi32>
    %eq3A_850 = arith.cmpi eq, %iota3A_321, %eq3A_849 : vector<1x128xi32>
    %jit3A_851 = arith.constant 0.000000e+00 : f32
    %broadcast_in_dim3A_852 = vector.broadcast %jit3A_851 : f32 to vector<1x128xf32>
    %select_n3A_853 = arith.select %eq3A_850, %get3A_846, %broadcast_in_dim3A_852 : vector<1x128xi1>, vector<1x128xf32>
    %reduce_sum3A_854 = arith.constant dense<0.000000e+00> : vector<1xf32>
    %reduce_sum3A_855 = vector.multi_reduction <add>, %select_n3A_853, %reduce_sum3A_854 [1] : vector<1x128xf32> to vector<1xf32>
    %broadcast_in_dim3A_856 = vector.shape_cast %reduce_sum3A_855 : vector<1xf32> to vector<1x1xf32>
    %shift_right_arithmetic3A_857 = arith.constant 7 : i32
    %shift_right_arithmetic3A_858 = arith.shrsi %get3A_312, %shift_right_arithmetic3A_857 : i32
    %shift_left3A_859 = arith.constant 7 : i32
    %shift_left3A_860 = arith.shli %shift_right_arithmetic3A_858, %shift_left3A_859 : i32
    %multiple_of3A_861 = tpu.assume_multiple %shift_left3A_860, 128 : i32
    %get3A_862 = arith.constant 30 : index
    %get3A_863 = arith.index_cast %multiple_of3A_861 : i32 to index
    %get3A_864 = vector.load %arg2[%get3A_862, %get3A_863] : memref<32x100000xf32, #tpu.memory_space<vmem>>, vector<1x128xf32>
    %and3A_865 = arith.constant 127 : i32
    %and3A_866 = arith.andi %get3A_312, %and3A_865 : i32
    %eq3A_867 = vector.broadcast %and3A_866 : i32 to vector<1x128xi32>
    %eq3A_868 = arith.cmpi eq, %iota3A_321, %eq3A_867 : vector<1x128xi32>
    %jit3A_869 = arith.constant 0.000000e+00 : f32
    %broadcast_in_dim3A_870 = vector.broadcast %jit3A_869 : f32 to vector<1x128xf32>
    %select_n3A_871 = arith.select %eq3A_868, %get3A_864, %broadcast_in_dim3A_870 : vector<1x128xi1>, vector<1x128xf32>
    %reduce_sum3A_872 = arith.constant dense<0.000000e+00> : vector<1xf32>
    %reduce_sum3A_873 = vector.multi_reduction <add>, %select_n3A_871, %reduce_sum3A_872 [1] : vector<1x128xf32> to vector<1xf32>
    %broadcast_in_dim3A_874 = vector.shape_cast %reduce_sum3A_873 : vector<1xf32> to vector<1x1xf32>
    %shift_right_arithmetic3A_875 = arith.constant 7 : i32
    %shift_right_arithmetic3A_876 = arith.shrsi %get3A_320, %shift_right_arithmetic3A_875 : i32
    %shift_left3A_877 = arith.constant 7 : i32
    %shift_left3A_878 = arith.shli %shift_right_arithmetic3A_876, %shift_left3A_877 : i32
    %multiple_of3A_879 = tpu.assume_multiple %shift_left3A_878, 128 : i32
    %get3A_880 = arith.constant 31 : index
    %get3A_881 = arith.index_cast %multiple_of3A_879 : i32 to index
    %get3A_882 = vector.load %arg2[%get3A_880, %get3A_881] : memref<32x100000xf32, #tpu.memory_space<vmem>>, vector<1x128xf32>
    %and3A_883 = arith.constant 127 : i32
    %and3A_884 = arith.andi %get3A_320, %and3A_883 : i32
    %eq3A_885 = vector.broadcast %and3A_884 : i32 to vector<1x128xi32>
    %eq3A_886 = arith.cmpi eq, %iota3A_321, %eq3A_885 : vector<1x128xi32>
    %jit3A_887 = arith.constant 0.000000e+00 : f32
    %broadcast_in_dim3A_888 = vector.broadcast %jit3A_887 : f32 to vector<1x128xf32>
    %select_n3A_889 = arith.select %eq3A_886, %get3A_882, %broadcast_in_dim3A_888 : vector<1x128xi1>, vector<1x128xf32>
    %reduce_sum3A_890 = arith.constant dense<0.000000e+00> : vector<1xf32>
    %reduce_sum3A_891 = vector.multi_reduction <add>, %select_n3A_889, %reduce_sum3A_890 [1] : vector<1x128xf32> to vector<1xf32>
    %broadcast_in_dim3A_892 = vector.shape_cast %reduce_sum3A_891 : vector<1xf32> to vector<1x1xf32>
    %concatenate3A = tpu.concatenate %broadcast_in_dim3A_334, %broadcast_in_dim3A_352, %broadcast_in_dim3A_370, %broadcast_in_dim3A_388, %broadcast_in_dim3A_406, %broadcast_in_dim3A_424, %broadcast_in_dim3A_442, %broadcast_in_dim3A_460, %broadcast_in_dim3A_478, %broadcast_in_dim3A_496, %broadcast_in_dim3A_514, %broadcast_in_dim3A_532, %broadcast_in_dim3A_550, %broadcast_in_dim3A_568, %broadcast_in_dim3A_586, %broadcast_in_dim3A_604, %broadcast_in_dim3A_622, %broadcast_in_dim3A_640, %broadcast_in_dim3A_658, %broadcast_in_dim3A_676, %broadcast_in_dim3A_694, %broadcast_in_dim3A_712, %broadcast_in_dim3A_730, %broadcast_in_dim3A_748, %broadcast_in_dim3A_766, %broadcast_in_dim3A_784, %broadcast_in_dim3A_802, %broadcast_in_dim3A_820, %broadcast_in_dim3A_838, %broadcast_in_dim3A_856, %broadcast_in_dim3A_874, %broadcast_in_dim3A_892 in 0 : vector<1x1xf32>, vector<1x1xf32>, vector<1x1xf32>, vector<1x1xf32>, vector<1x1xf32>, vector<1x1xf32>, vector<1x1xf32>, vector<1x1xf32>, vector<1x1xf32>, vector<1x1xf32>, vector<1x1xf32>, vector<1x1xf32>, vector<1x1xf32>, vector<1x1xf32>, vector<1x1xf32>, vector<1x1xf32>, vector<1x1xf32>, vector<1x1xf32>, vector<1x1xf32>, vector<1x1xf32>, vector<1x1xf32>, vector<1x1xf32>, vector<1x1xf32>, vector<1x1xf32>, vector<1x1xf32>, vector<1x1xf32>, vector<1x1xf32>, vector<1x1xf32>, vector<1x1xf32>, vector<1x1xf32>, vector<1x1xf32>, vector<1x1xf32> -> vector<32x1xf32>
    %broadcast_in_dim3A_893 = vector.broadcast %get3A_72 : i32 to vector<1x1xi32>
    %broadcast_in_dim3A_894 = vector.broadcast %get3A_80 : i32 to vector<1x1xi32>
    %broadcast_in_dim3A_895 = vector.broadcast %get3A_88 : i32 to vector<1x1xi32>
    %broadcast_in_dim3A_896 = vector.broadcast %get3A_96 : i32 to vector<1x1xi32>
    %broadcast_in_dim3A_897 = vector.broadcast %get3A_104 : i32 to vector<1x1xi32>
    %broadcast_in_dim3A_898 = vector.broadcast %get3A_112 : i32 to vector<1x1xi32>
    %broadcast_in_dim3A_899 = vector.broadcast %get3A_120 : i32 to vector<1x1xi32>
    %broadcast_in_dim3A_900 = vector.broadcast %get3A_128 : i32 to vector<1x1xi32>
    %broadcast_in_dim3A_901 = vector.broadcast %get3A_136 : i32 to vector<1x1xi32>
    %broadcast_in_dim3A_902 = vector.broadcast %get3A_144 : i32 to vector<1x1xi32>
    %broadcast_in_dim3A_903 = vector.broadcast %get3A_152 : i32 to vector<1x1xi32>
    %broadcast_in_dim3A_904 = vector.broadcast %get3A_160 : i32 to vector<1x1xi32>
    %broadcast_in_dim3A_905 = vector.broadcast %get3A_168 : i32 to vector<1x1xi32>
    %broadcast_in_dim3A_906 = vector.broadcast %get3A_176 : i32 to vector<1x1xi32>
    %broadcast_in_dim3A_907 = vector.broadcast %get3A_184 : i32 to vector<1x1xi32>
    %broadcast_in_dim3A_908 = vector.broadcast %get3A_192 : i32 to vector<1x1xi32>
    %broadcast_in_dim3A_909 = vector.broadcast %get3A_200 : i32 to vector<1x1xi32>
    %broadcast_in_dim3A_910 = vector.broadcast %get3A_208 : i32 to vector<1x1xi32>
    %broadcast_in_dim3A_911 = vector.broadcast %get3A_216 : i32 to vector<1x1xi32>
    %broadcast_in_dim3A_912 = vector.broadcast %get3A_224 : i32 to vector<1x1xi32>
    %broadcast_in_dim3A_913 = vector.broadcast %get3A_232 : i32 to vector<1x1xi32>
    %broadcast_in_dim3A_914 = vector.broadcast %get3A_240 : i32 to vector<1x1xi32>
    %broadcast_in_dim3A_915 = vector.broadcast %get3A_248 : i32 to vector<1x1xi32>
    %broadcast_in_dim3A_916 = vector.broadcast %get3A_256 : i32 to vector<1x1xi32>
    %broadcast_in_dim3A_917 = vector.broadcast %get3A_264 : i32 to vector<1x1xi32>
    %broadcast_in_dim3A_918 = vector.broadcast %get3A_272 : i32 to vector<1x1xi32>
    %broadcast_in_dim3A_919 = vector.broadcast %get3A_280 : i32 to vector<1x1xi32>
    %broadcast_in_dim3A_920 = vector.broadcast %get3A_288 : i32 to vector<1x1xi32>
    %broadcast_in_dim3A_921 = vector.broadcast %get3A_296 : i32 to vector<1x1xi32>
    %broadcast_in_dim3A_922 = vector.broadcast %get3A_304 : i32 to vector<1x1xi32>
    %broadcast_in_dim3A_923 = vector.broadcast %get3A_312 : i32 to vector<1x1xi32>
    %broadcast_in_dim3A_924 = vector.broadcast %get3A_320 : i32 to vector<1x1xi32>
    %concatenate3A_925 = tpu.concatenate %broadcast_in_dim3A_893, %broadcast_in_dim3A_894, %broadcast_in_dim3A_895, %broadcast_in_dim3A_896, %broadcast_in_dim3A_897, %broadcast_in_dim3A_898, %broadcast_in_dim3A_899, %broadcast_in_dim3A_900, %broadcast_in_dim3A_901, %broadcast_in_dim3A_902, %broadcast_in_dim3A_903, %broadcast_in_dim3A_904, %broadcast_in_dim3A_905, %broadcast_in_dim3A_906, %broadcast_in_dim3A_907, %broadcast_in_dim3A_908, %broadcast_in_dim3A_909, %broadcast_in_dim3A_910, %broadcast_in_dim3A_911, %broadcast_in_dim3A_912, %broadcast_in_dim3A_913, %broadcast_in_dim3A_914, %broadcast_in_dim3A_915, %broadcast_in_dim3A_916, %broadcast_in_dim3A_917, %broadcast_in_dim3A_918, %broadcast_in_dim3A_919, %broadcast_in_dim3A_920, %broadcast_in_dim3A_921, %broadcast_in_dim3A_922, %broadcast_in_dim3A_923, %broadcast_in_dim3A_924 in 0 : vector<1x1xi32>, vector<1x1xi32>, vector<1x1xi32>, vector<1x1xi32>, vector<1x1xi32>, vector<1x1xi32>, vector<1x1xi32>, vector<1x1xi32>, vector<1x1xi32>, vector<1x1xi32>, vector<1x1xi32>, vector<1x1xi32>, vector<1x1xi32>, vector<1x1xi32>, vector<1x1xi32>, vector<1x1xi32>, vector<1x1xi32>, vector<1x1xi32>, vector<1x1xi32>, vector<1x1xi32>, vector<1x1xi32>, vector<1x1xi32>, vector<1x1xi32>, vector<1x1xi32>, vector<1x1xi32>, vector<1x1xi32>, vector<1x1xi32>, vector<1x1xi32>, vector<1x1xi32>, vector<1x1xi32>, vector<1x1xi32>, vector<1x1xi32> -> vector<32x1xi32>
    %eq3A_926 = arith.cmpf oeq, %concatenate3A, %broadcast_in_dim3A_63 : vector<32x1xf32>
    %reduce_or3A = arith.constant 1.000000e+00 : f32
    %reduce_or3A_927 = arith.constant 0.000000e+00 : f32
    %reduce_or3A_928 = vector.broadcast %reduce_or3A : f32 to vector<32x1xf32>
    %reduce_or3A_929 = vector.broadcast %reduce_or3A_927 : f32 to vector<32x1xf32>
    %reduce_or3A_930 = arith.select %eq3A_926, %reduce_or3A_928, %reduce_or3A_929 : vector<32x1xi1>, vector<32x1xf32>
    %reduce_or3A_931 = vector.shape_cast %reduce_or3A_930 : vector<32x1xf32> to vector<1x32x1xf32>
    %reduce_or3A_932 = arith.constant dense<0xFF800000> : vector<1xf32>
    %reduce_or3A_933 = vector.multi_reduction <maximumf>, %reduce_or3A_931, %reduce_or3A_932 [1, 2] : vector<1x32x1xf32> to vector<1xf32>
    %reduce_or3A_934 = vector.shape_cast %reduce_or3A_933 : vector<1xf32> to vector<1x1x1xf32>
    %reduce_or3A_935 = vector.extract %reduce_or3A_934[0, 0, 0] : f32 from vector<1x1x1xf32>
    %reduce_or3A_936 = arith.constant 0.000000e+00 : f32
    %reduce_or3A_937 = arith.cmpf ogt, %reduce_or3A_935, %reduce_or3A_936 : f32
    %convert_element_type3A = arith.extui %reduce_or3A_937 : i1 to i32
    %cond3A = arith.constant 0 : i32
    %cond3A_938 = arith.cmpi ne, %convert_element_type3A, %cond3A : i32
    %cond3A_939 = scf.if %cond3A_938 -> (vector<32x1xi32>) {
      %broadcast_in_dim3A_965 = arith.constant 1073741824 : i32
      %broadcast_in_dim3A_966 = vector.broadcast %broadcast_in_dim3A_965 : i32 to vector<32x128xi32>
      %scan3A_967 = arith.constant 0 : i32
      %scan3A_968 = arith.constant 71 : i32
      %scan3A_969 = arith.addi %scan3A_967, %scan3A_968 : i32
      %scan3A_970 = arith.constant 1 : i32
      %scan3A_971 = scf.for %scan3A_986 = %scan3A_967 to %scan3A_969 step %scan3A_970 iter_args(%scan3A_987 = %broadcast_in_dim3A_966) -> (vector<32x128xi32>)  : i32 {
        %mul3A_988 = arith.constant 1408 : i32
        %mul3A_989 = arith.muli %scan3A_986, %mul3A_988 : i32
        %add3A_990 = arith.constant 0 : i32
        %add3A_991 = arith.addi %mul3A_989, %add3A_990 : i32
        %get3A_992 = arith.constant 0 : index
        %get3A_993 = arith.index_cast %add3A_991 : i32 to index
        %get3A_994 = vector.load %arg2[%get3A_992, %get3A_993] : memref<32x100000xf32, #tpu.memory_space<vmem>>, vector<32x128xf32>
        %add3A_995 = arith.constant 0 : i32
        %add3A_996 = arith.addi %mul3A_989, %add3A_995 : i32
        %add3A_997 = vector.broadcast %add3A_996 : i32 to vector<32x128xi32>
        %add3A_998 = arith.addi %iota3A, %add3A_997 : vector<32x128xi32>
        %eq3A_999 = vector.broadcast %broadcast_in_dim3A_63 : vector<32x1xf32> to vector<32x128xf32>
        %eq3A_1000 = arith.cmpf oeq, %get3A_994, %eq3A_999 : vector<32x128xf32>
        %lt3A_1001 = arith.cmpi slt, %add3A_998, %scan3A_987 : vector<32x128xi32>
        %and3A_1002 = arith.andi %eq3A_1000, %lt3A_1001 : vector<32x128xi1>
        %select_n3A_1003 = arith.select %and3A_1002, %add3A_998, %scan3A_987 : vector<32x128xi1>, vector<32x128xi32>
        %add3A_1004 = arith.constant 128 : i32
        %add3A_1005 = arith.addi %mul3A_989, %add3A_1004 : i32
        %get3A_1006 = arith.constant 0 : index
        %get3A_1007 = arith.index_cast %add3A_1005 : i32 to index
        %get3A_1008 = vector.load %arg2[%get3A_1006, %get3A_1007] : memref<32x100000xf32, #tpu.memory_space<vmem>>, vector<32x128xf32>
        %add3A_1009 = arith.constant 128 : i32
        %add3A_1010 = arith.addi %mul3A_989, %add3A_1009 : i32
        %add3A_1011 = vector.broadcast %add3A_1010 : i32 to vector<32x128xi32>
        %add3A_1012 = arith.addi %iota3A, %add3A_1011 : vector<32x128xi32>
        %eq3A_1013 = vector.broadcast %broadcast_in_dim3A_63 : vector<32x1xf32> to vector<32x128xf32>
        %eq3A_1014 = arith.cmpf oeq, %get3A_1008, %eq3A_1013 : vector<32x128xf32>
        %lt3A_1015 = arith.cmpi slt, %add3A_1012, %select_n3A_1003 : vector<32x128xi32>
        %and3A_1016 = arith.andi %eq3A_1014, %lt3A_1015 : vector<32x128xi1>
        %select_n3A_1017 = arith.select %and3A_1016, %add3A_1012, %select_n3A_1003 : vector<32x128xi1>, vector<32x128xi32>
        %add3A_1018 = arith.constant 256 : i32
        %add3A_1019 = arith.addi %mul3A_989, %add3A_1018 : i32
        %get3A_1020 = arith.constant 0 : index
        %get3A_1021 = arith.index_cast %add3A_1019 : i32 to index
        %get3A_1022 = vector.load %arg2[%get3A_1020, %get3A_1021] : memref<32x100000xf32, #tpu.memory_space<vmem>>, vector<32x128xf32>
        %add3A_1023 = arith.constant 256 : i32
        %add3A_1024 = arith.addi %mul3A_989, %add3A_1023 : i32
        %add3A_1025 = vector.broadcast %add3A_1024 : i32 to vector<32x128xi32>
        %add3A_1026 = arith.addi %iota3A, %add3A_1025 : vector<32x128xi32>
        %eq3A_1027 = vector.broadcast %broadcast_in_dim3A_63 : vector<32x1xf32> to vector<32x128xf32>
        %eq3A_1028 = arith.cmpf oeq, %get3A_1022, %eq3A_1027 : vector<32x128xf32>
        %lt3A_1029 = arith.cmpi slt, %add3A_1026, %select_n3A_1017 : vector<32x128xi32>
        %and3A_1030 = arith.andi %eq3A_1028, %lt3A_1029 : vector<32x128xi1>
        %select_n3A_1031 = arith.select %and3A_1030, %add3A_1026, %select_n3A_1017 : vector<32x128xi1>, vector<32x128xi32>
        %add3A_1032 = arith.constant 384 : i32
        %add3A_1033 = arith.addi %mul3A_989, %add3A_1032 : i32
        %get3A_1034 = arith.constant 0 : index
        %get3A_1035 = arith.index_cast %add3A_1033 : i32 to index
        %get3A_1036 = vector.load %arg2[%get3A_1034, %get3A_1035] : memref<32x100000xf32, #tpu.memory_space<vmem>>, vector<32x128xf32>
        %add3A_1037 = arith.constant 384 : i32
        %add3A_1038 = arith.addi %mul3A_989, %add3A_1037 : i32
        %add3A_1039 = vector.broadcast %add3A_1038 : i32 to vector<32x128xi32>
        %add3A_1040 = arith.addi %iota3A, %add3A_1039 : vector<32x128xi32>
        %eq3A_1041 = vector.broadcast %broadcast_in_dim3A_63 : vector<32x1xf32> to vector<32x128xf32>
        %eq3A_1042 = arith.cmpf oeq, %get3A_1036, %eq3A_1041 : vector<32x128xf32>
        %lt3A_1043 = arith.cmpi slt, %add3A_1040, %select_n3A_1031 : vector<32x128xi32>
        %and3A_1044 = arith.andi %eq3A_1042, %lt3A_1043 : vector<32x128xi1>
        %select_n3A_1045 = arith.select %and3A_1044, %add3A_1040, %select_n3A_1031 : vector<32x128xi1>, vector<32x128xi32>
        %add3A_1046 = arith.constant 512 : i32
        %add3A_1047 = arith.addi %mul3A_989, %add3A_1046 : i32
        %get3A_1048 = arith.constant 0 : index
        %get3A_1049 = arith.index_cast %add3A_1047 : i32 to index
        %get3A_1050 = vector.load %arg2[%get3A_1048, %get3A_1049] : memref<32x100000xf32, #tpu.memory_space<vmem>>, vector<32x128xf32>
        %add3A_1051 = arith.constant 512 : i32
        %add3A_1052 = arith.addi %mul3A_989, %add3A_1051 : i32
        %add3A_1053 = vector.broadcast %add3A_1052 : i32 to vector<32x128xi32>
        %add3A_1054 = arith.addi %iota3A, %add3A_1053 : vector<32x128xi32>
        %eq3A_1055 = vector.broadcast %broadcast_in_dim3A_63 : vector<32x1xf32> to vector<32x128xf32>
        %eq3A_1056 = arith.cmpf oeq, %get3A_1050, %eq3A_1055 : vector<32x128xf32>
        %lt3A_1057 = arith.cmpi slt, %add3A_1054, %select_n3A_1045 : vector<32x128xi32>
        %and3A_1058 = arith.andi %eq3A_1056, %lt3A_1057 : vector<32x128xi1>
        %select_n3A_1059 = arith.select %and3A_1058, %add3A_1054, %select_n3A_1045 : vector<32x128xi1>, vector<32x128xi32>
        %add3A_1060 = arith.constant 640 : i32
        %add3A_1061 = arith.addi %mul3A_989, %add3A_1060 : i32
        %get3A_1062 = arith.constant 0 : index
        %get3A_1063 = arith.index_cast %add3A_1061 : i32 to index
        %get3A_1064 = vector.load %arg2[%get3A_1062, %get3A_1063] : memref<32x100000xf32, #tpu.memory_space<vmem>>, vector<32x128xf32>
        %add3A_1065 = arith.constant 640 : i32
        %add3A_1066 = arith.addi %mul3A_989, %add3A_1065 : i32
        %add3A_1067 = vector.broadcast %add3A_1066 : i32 to vector<32x128xi32>
        %add3A_1068 = arith.addi %iota3A, %add3A_1067 : vector<32x128xi32>
        %eq3A_1069 = vector.broadcast %broadcast_in_dim3A_63 : vector<32x1xf32> to vector<32x128xf32>
        %eq3A_1070 = arith.cmpf oeq, %get3A_1064, %eq3A_1069 : vector<32x128xf32>
        %lt3A_1071 = arith.cmpi slt, %add3A_1068, %select_n3A_1059 : vector<32x128xi32>
        %and3A_1072 = arith.andi %eq3A_1070, %lt3A_1071 : vector<32x128xi1>
        %select_n3A_1073 = arith.select %and3A_1072, %add3A_1068, %select_n3A_1059 : vector<32x128xi1>, vector<32x128xi32>
        %add3A_1074 = arith.constant 768 : i32
        %add3A_1075 = arith.addi %mul3A_989, %add3A_1074 : i32
        %get3A_1076 = arith.constant 0 : index
        %get3A_1077 = arith.index_cast %add3A_1075 : i32 to index
        %get3A_1078 = vector.load %arg2[%get3A_1076, %get3A_1077] : memref<32x100000xf32, #tpu.memory_space<vmem>>, vector<32x128xf32>
        %add3A_1079 = arith.constant 768 : i32
        %add3A_1080 = arith.addi %mul3A_989, %add3A_1079 : i32
        %add3A_1081 = vector.broadcast %add3A_1080 : i32 to vector<32x128xi32>
        %add3A_1082 = arith.addi %iota3A, %add3A_1081 : vector<32x128xi32>
        %eq3A_1083 = vector.broadcast %broadcast_in_dim3A_63 : vector<32x1xf32> to vector<32x128xf32>
        %eq3A_1084 = arith.cmpf oeq, %get3A_1078, %eq3A_1083 : vector<32x128xf32>
        %lt3A_1085 = arith.cmpi slt, %add3A_1082, %select_n3A_1073 : vector<32x128xi32>
        %and3A_1086 = arith.andi %eq3A_1084, %lt3A_1085 : vector<32x128xi1>
        %select_n3A_1087 = arith.select %and3A_1086, %add3A_1082, %select_n3A_1073 : vector<32x128xi1>, vector<32x128xi32>
        %add3A_1088 = arith.constant 896 : i32
        %add3A_1089 = arith.addi %mul3A_989, %add3A_1088 : i32
        %get3A_1090 = arith.constant 0 : index
        %get3A_1091 = arith.index_cast %add3A_1089 : i32 to index
        %get3A_1092 = vector.load %arg2[%get3A_1090, %get3A_1091] : memref<32x100000xf32, #tpu.memory_space<vmem>>, vector<32x128xf32>
        %add3A_1093 = arith.constant 896 : i32
        %add3A_1094 = arith.addi %mul3A_989, %add3A_1093 : i32
        %add3A_1095 = vector.broadcast %add3A_1094 : i32 to vector<32x128xi32>
        %add3A_1096 = arith.addi %iota3A, %add3A_1095 : vector<32x128xi32>
        %eq3A_1097 = vector.broadcast %broadcast_in_dim3A_63 : vector<32x1xf32> to vector<32x128xf32>
        %eq3A_1098 = arith.cmpf oeq, %get3A_1092, %eq3A_1097 : vector<32x128xf32>
        %lt3A_1099 = arith.cmpi slt, %add3A_1096, %select_n3A_1087 : vector<32x128xi32>
        %and3A_1100 = arith.andi %eq3A_1098, %lt3A_1099 : vector<32x128xi1>
        %select_n3A_1101 = arith.select %and3A_1100, %add3A_1096, %select_n3A_1087 : vector<32x128xi1>, vector<32x128xi32>
        %add3A_1102 = arith.constant 1024 : i32
        %add3A_1103 = arith.addi %mul3A_989, %add3A_1102 : i32
        %get3A_1104 = arith.constant 0 : index
        %get3A_1105 = arith.index_cast %add3A_1103 : i32 to index
        %get3A_1106 = vector.load %arg2[%get3A_1104, %get3A_1105] : memref<32x100000xf32, #tpu.memory_space<vmem>>, vector<32x128xf32>
        %add3A_1107 = arith.constant 1024 : i32
        %add3A_1108 = arith.addi %mul3A_989, %add3A_1107 : i32
        %add3A_1109 = vector.broadcast %add3A_1108 : i32 to vector<32x128xi32>
        %add3A_1110 = arith.addi %iota3A, %add3A_1109 : vector<32x128xi32>
        %eq3A_1111 = vector.broadcast %broadcast_in_dim3A_63 : vector<32x1xf32> to vector<32x128xf32>
        %eq3A_1112 = arith.cmpf oeq, %get3A_1106, %eq3A_1111 : vector<32x128xf32>
        %lt3A_1113 = arith.cmpi slt, %add3A_1110, %select_n3A_1101 : vector<32x128xi32>
        %and3A_1114 = arith.andi %eq3A_1112, %lt3A_1113 : vector<32x128xi1>
        %select_n3A_1115 = arith.select %and3A_1114, %add3A_1110, %select_n3A_1101 : vector<32x128xi1>, vector<32x128xi32>
        %add3A_1116 = arith.constant 1152 : i32
        %add3A_1117 = arith.addi %mul3A_989, %add3A_1116 : i32
        %get3A_1118 = arith.constant 0 : index
        %get3A_1119 = arith.index_cast %add3A_1117 : i32 to index
        %get3A_1120 = vector.load %arg2[%get3A_1118, %get3A_1119] : memref<32x100000xf32, #tpu.memory_space<vmem>>, vector<32x128xf32>
        %add3A_1121 = arith.constant 1152 : i32
        %add3A_1122 = arith.addi %mul3A_989, %add3A_1121 : i32
        %add3A_1123 = vector.broadcast %add3A_1122 : i32 to vector<32x128xi32>
        %add3A_1124 = arith.addi %iota3A, %add3A_1123 : vector<32x128xi32>
        %eq3A_1125 = vector.broadcast %broadcast_in_dim3A_63 : vector<32x1xf32> to vector<32x128xf32>
        %eq3A_1126 = arith.cmpf oeq, %get3A_1120, %eq3A_1125 : vector<32x128xf32>
        %lt3A_1127 = arith.cmpi slt, %add3A_1124, %select_n3A_1115 : vector<32x128xi32>
        %and3A_1128 = arith.andi %eq3A_1126, %lt3A_1127 : vector<32x128xi1>
        %select_n3A_1129 = arith.select %and3A_1128, %add3A_1124, %select_n3A_1115 : vector<32x128xi1>, vector<32x128xi32>
        %add3A_1130 = arith.constant 1280 : i32
        %add3A_1131 = arith.addi %mul3A_989, %add3A_1130 : i32
        %get3A_1132 = arith.constant 0 : index
        %get3A_1133 = arith.index_cast %add3A_1131 : i32 to index
        %get3A_1134 = vector.load %arg2[%get3A_1132, %get3A_1133] : memref<32x100000xf32, #tpu.memory_space<vmem>>, vector<32x128xf32>
        %add3A_1135 = arith.constant 1280 : i32
        %add3A_1136 = arith.addi %mul3A_989, %add3A_1135 : i32
        %add3A_1137 = vector.broadcast %add3A_1136 : i32 to vector<32x128xi32>
        %add3A_1138 = arith.addi %iota3A, %add3A_1137 : vector<32x128xi32>
        %eq3A_1139 = vector.broadcast %broadcast_in_dim3A_63 : vector<32x1xf32> to vector<32x128xf32>
        %eq3A_1140 = arith.cmpf oeq, %get3A_1134, %eq3A_1139 : vector<32x128xf32>
        %lt3A_1141 = arith.cmpi slt, %add3A_1138, %select_n3A_1129 : vector<32x128xi32>
        %and3A_1142 = arith.andi %eq3A_1140, %lt3A_1141 : vector<32x128xi1>
        %select_n3A_1143 = arith.select %and3A_1142, %add3A_1138, %select_n3A_1129 : vector<32x128xi1>, vector<32x128xi32>
        scf.yield %select_n3A_1143 : vector<32x128xi32>
      }
      %scan3A_972 = arith.constant 71 : i32
      %get3A_973 = arith.constant 0 : index
      %get3A_974 = arith.constant 99872 : index
      %get3A_975 = vector.load %arg2[%get3A_973, %get3A_974] : memref<32x100000xf32, #tpu.memory_space<vmem>>, vector<32x128xf32>
      %add3A_976 = arith.constant 99872 : i32
      %add3A_977 = vector.broadcast %add3A_976 : i32 to vector<32x128xi32>
      %add3A_978 = arith.addi %iota3A, %add3A_977 : vector<32x128xi32>
      %eq3A_979 = vector.broadcast %broadcast_in_dim3A_63 : vector<32x1xf32> to vector<32x128xf32>
      %eq3A_980 = arith.cmpf oeq, %get3A_975, %eq3A_979 : vector<32x128xf32>
      %and3A_981 = arith.andi %ge3A_54, %eq3A_980 : vector<32x128xi1>
      %lt3A = arith.cmpi slt, %add3A_978, %scan3A_971 : vector<32x128xi32>
      %and3A_982 = arith.andi %and3A_981, %lt3A : vector<32x128xi1>
      %select_n3A_983 = arith.select %and3A_982, %add3A_978, %scan3A_971 : vector<32x128xi1>, vector<32x128xi32>
      %reduce_min3A = arith.constant dense<2147483647> : vector<32xi32>
      %reduce_min3A_984 = vector.multi_reduction <minsi>, %select_n3A_983, %reduce_min3A [1] : vector<32x128xi32> to vector<32xi32>
      %broadcast_in_dim3A_985 = vector.shape_cast %reduce_min3A_984 : vector<32xi32> to vector<32x1xi32>
      scf.yield %broadcast_in_dim3A_985 : vector<32x1xi32>
    } else {
      %broadcast_in_dim3A_965 = arith.constant 1073741824 : i32
      %broadcast_in_dim3A_966 = vector.broadcast %broadcast_in_dim3A_965 : i32 to vector<32x1xi32>
      scf.yield %broadcast_in_dim3A_966 : vector<32x1xi32>
    }
    %eq3A_940 = arith.cmpf oeq, %concatenate3A, %broadcast_in_dim3A_63 : vector<32x1xf32>
    %eq3A_941 = arith.cmpi eq, %cond3A_939, %concatenate3A_925 : vector<32x1xi32>
    %and3A_942 = arith.andi %eq3A_940, %eq3A_941 : vector<32x1xi1>
    %convert_element_type3A_943 = arith.extui %and3A_942 : vector<32x1xi1> to vector<32x1xi32>
    %convert_element_type3A_944 = arith.sitofp %convert_element_type3A_943 : vector<32x1xi32> to vector<32x1xf32>
    %sub3A = arith.constant 1.000000e+00 : f32
    %sub3A_945 = vector.broadcast %sub3A : f32 to vector<32x1xf32>
    %sub3A_946 = arith.subf %sub3A_945, %convert_element_type3A_944 : vector<32x1xf32>
    %log3A = math.log %broadcast_in_dim3A_65 : vector<32x1xf32>
    %sub3A_947 = arith.subf %log3A, %concatenate3A : vector<32x1xf32>
    %mul3A_948 = arith.mulf %sub3A_947, %sub3A_946 : vector<32x1xf32>
    %reduce_sum3A_949 = vector.shape_cast %mul3A_948 : vector<32x1xf32> to vector<1x32x1xf32>
    %reduce_sum3A_950 = arith.constant dense<0.000000e+00> : vector<1xf32>
    %reduce_sum3A_951 = vector.multi_reduction <add>, %reduce_sum3A_949, %reduce_sum3A_950 [1, 2] : vector<1x32x1xf32> to vector<1xf32>
    %reduce_sum3A_952 = vector.shape_cast %reduce_sum3A_951 : vector<1xf32> to vector<1x1x1xf32>
    %reduce_sum3A_953 = vector.extract %reduce_sum3A_952[0, 0, 0] : f32 from vector<1x1x1xf32>
    %eq3A_954 = arith.constant 0 : i32
    %eq3A_955 = arith.cmpi eq, %arg0, %eq3A_954 : i32
    %convert_element_type3A_956 = arith.extui %eq3A_955 : i1 to i32
    %cond3A_957 = arith.constant 0 : i32
    %cond3A_958 = arith.cmpi ne, %convert_element_type3A_956, %cond3A_957 : i32
    scf.if %cond3A_958 {
      %swap3A_965 = arith.constant 0.000000e+00 : f32
      %swap3A_966 = arith.constant 0 : index
      %swap3A_967 = arith.constant 0 : index
      %swap3A_968 = memref.load %arg3[%swap3A_966, %swap3A_967] : memref<1x1xf32, #tpu.memory_space<smem>>
      memref.store %swap3A_965, %arg3[%swap3A_966, %swap3A_967] : memref<1x1xf32, #tpu.memory_space<smem>>
    } else {
    }
    %get3A_959 = arith.constant 0 : index
    %get3A_960 = arith.constant 0 : index
    %get3A_961 = memref.load %arg3[%get3A_959, %get3A_960] : memref<1x1xf32, #tpu.memory_space<smem>>
    %add3A_962 = arith.addf %get3A_961, %reduce_sum3A_953 : f32
    %swap3A = arith.constant 0 : index
    %swap3A_963 = arith.constant 0 : index
    %swap3A_964 = memref.load %arg3[%swap3A, %swap3A_963] : memref<1x1xf32, #tpu.memory_space<smem>>
    memref.store %add3A_962, %arg3[%swap3A, %swap3A_963] : memref<1x1xf32, #tpu.memory_space<smem>>
    return
  }
  func.func @transform_0(%arg0: i32, %arg1: memref<512xi32, #tpu.memory_space<smem>>) -> (i32, i32) {
    %add3A = arith.constant 8 : i32
    %add3A_0 = arith.addi %add3A, %arg0 : i32
    %c0_i32 = arith.constant 0 : i32
    %c0_i32_1 = arith.constant 0 : i32
    return %add3A_0, %c0_i32 : i32, i32
  }
  func.func @transform_1(%arg0: i32, %arg1: memref<512xi32, #tpu.memory_space<smem>>) -> (i32, i32) {
    %c0_i32 = arith.constant 0 : i32
    %c0_i32_0 = arith.constant 0 : i32
    %c0_i32_1 = arith.constant 0 : i32
    return %c0_i32, %c0_i32_0 : i32, i32
  }
}

module attributes {stable_mosaic.version = 14 : i64} {
  func.func @_combine_body(%arg0: memref<256x16xf32, #tpu.memory_space<vmem>>, %arg1: memref<256x16xf32, #tpu.memory_space<vmem>>, %arg2: memref<256x16xi32, #tpu.memory_space<vmem>>, %arg3: memref<256x16xf32, #tpu.memory_space<vmem>>, %arg4: memref<256x16xi32, #tpu.memory_space<vmem>>, %arg5: memref<1x1xf32, #tpu.memory_space<smem>>, %arg6: memref<1x1xf32, #tpu.memory_space<smem>>) attributes {dimension_semantics = [], scalar_prefetch = 0 : i64, scratch_operands = 0 : i64, tpu.core_type = #tpu.core_type<tc>} {
    %get3A = arith.constant 0 : index
    %get3A_0 = arith.constant 0 : index
    %get3A_1 = vector.load %arg0[%get3A, %get3A_0] : memref<256x16xf32, #tpu.memory_space<vmem>>, vector<256x16xf32>
    %reduce_max3A = arith.constant dense<0xFF800000> : vector<256xf32>
    %reduce_max3A_2 = vector.multi_reduction <maximumf>, %get3A_1, %reduce_max3A [1] : vector<256x16xf32> to vector<256xf32>
    %broadcast_in_dim3A = vector.shape_cast %reduce_max3A_2 : vector<256xf32> to vector<256x1xf32>
    %get3A_3 = arith.constant 0 : index
    %get3A_4 = arith.constant 0 : index
    %get3A_5 = vector.load %arg1[%get3A_3, %get3A_4] : memref<256x16xf32, #tpu.memory_space<vmem>>, vector<256x16xf32>
    %reduce_sum3A = arith.constant dense<0.000000e+00> : vector<256xf32>
    %reduce_sum3A_6 = vector.multi_reduction <add>, %get3A_5, %reduce_sum3A [1] : vector<256x16xf32> to vector<256xf32>
    %broadcast_in_dim3A_7 = vector.shape_cast %reduce_sum3A_6 : vector<256xf32> to vector<256x1xf32>
    %get3A_8 = arith.constant 0 : index
    %get3A_9 = arith.constant 0 : index
    %get3A_10 = vector.load %arg2[%get3A_8, %get3A_9] : memref<256x16xi32, #tpu.memory_space<vmem>>, vector<256x16xi32>
    %reduce_min3A = arith.constant dense<2147483647> : vector<256xi32>
    %reduce_min3A_11 = vector.multi_reduction <minsi>, %get3A_10, %reduce_min3A [1] : vector<256x16xi32> to vector<256xi32>
    %broadcast_in_dim3A_12 = vector.shape_cast %reduce_min3A_11 : vector<256xi32> to vector<256x1xi32>
    %get3A_13 = arith.constant 0 : index
    %get3A_14 = arith.constant 0 : index
    %get3A_15 = vector.load %arg3[%get3A_13, %get3A_14] : memref<256x16xf32, #tpu.memory_space<vmem>>, vector<256x1xf32>
    %get3A_16 = arith.constant 0 : index
    %get3A_17 = arith.constant 0 : index
    %get3A_18 = vector.load %arg4[%get3A_16, %get3A_17] : memref<256x16xi32, #tpu.memory_space<vmem>>, vector<256x1xi32>
    %eq3A = arith.cmpf oeq, %get3A_15, %broadcast_in_dim3A : vector<256x1xf32>
    %eq3A_19 = arith.cmpi eq, %broadcast_in_dim3A_12, %get3A_18 : vector<256x1xi32>
    %and3A = arith.andi %eq3A, %eq3A_19 : vector<256x1xi1>
    %convert_element_type3A = arith.extui %and3A : vector<256x1xi1> to vector<256x1xi32>
    %convert_element_type3A_20 = arith.sitofp %convert_element_type3A : vector<256x1xi32> to vector<256x1xf32>
    %sub3A = arith.constant 1.000000e+00 : f32
    %sub3A_21 = vector.broadcast %sub3A : f32 to vector<256x1xf32>
    %sub3A_22 = arith.subf %sub3A_21, %convert_element_type3A_20 : vector<256x1xf32>
    %log3A = math.log %broadcast_in_dim3A_7 : vector<256x1xf32>
    %sub3A_23 = arith.subf %log3A, %get3A_15 : vector<256x1xf32>
    %mul3A = arith.mulf %sub3A_23, %sub3A_22 : vector<256x1xf32>
    %reduce_sum3A_24 = vector.shape_cast %mul3A : vector<256x1xf32> to vector<1x256x1xf32>
    %reduce_sum3A_25 = arith.constant dense<0.000000e+00> : vector<1xf32>
    %reduce_sum3A_26 = vector.multi_reduction <add>, %reduce_sum3A_24, %reduce_sum3A_25 [1, 2] : vector<1x256x1xf32> to vector<1xf32>
    %reduce_sum3A_27 = vector.shape_cast %reduce_sum3A_26 : vector<1xf32> to vector<1x1x1xf32>
    %reduce_sum3A_28 = vector.extract %reduce_sum3A_27[0, 0, 0] : f32 from vector<1x1x1xf32>
    %get3A_29 = arith.constant 0 : index
    %get3A_30 = arith.constant 0 : index
    %get3A_31 = memref.load %arg5[%get3A_29, %get3A_30] : memref<1x1xf32, #tpu.memory_space<smem>>
    %add3A = arith.addf %reduce_sum3A_28, %get3A_31 : f32
    %div3A = arith.constant 5.120000e+02 : f32
    %div3A_32 = arith.divf %add3A, %div3A : f32
    %swap3A = arith.constant 0 : index
    %swap3A_33 = arith.constant 0 : index
    %swap3A_34 = memref.load %arg6[%swap3A, %swap3A_33] : memref<1x1xf32, #tpu.memory_space<smem>>
    memref.store %div3A_32, %arg6[%swap3A, %swap3A_33] : memref<1x1xf32, #tpu.memory_space<smem>>
    return
  }
}

</mosaic_0001>

<sc_bundles>
// kernel: kernel.5.cloned.1.call-start
scs
__scs_entry_jumppad:
0x0: {  	(pc) =	sbr.rel $0x88, $3  }
0x1: {  	(tag) =	ssettag $0x0;
	lr =	simm.s32 $0x1  }
0x2: {  	[smem:$0x3F9F] =	sst lr;
	_ =	strace $0xD0000000  }
0x3: {  	_ = 	snop  }
0x4: {  	_ = 	snop  }
0x5: {  	_ = 	snop  }
0x6: {  	_ = 	snop  }
0x7: {  	_ = 	snop  }
__scs_overlays_trampoline_lowered:
0x8: {  	[smem:$0x3FAE] =	sst s0  }
0x9: {  	[smem:$0x3FAF] =	sst s1  }
0xa: {  	[smem:$0x3FB0] =	sst s2  }
0xb: {  	[smem:$0x3FB1] =	sst s3  }
0xc: {  	[smem:$0x3FB2] =	sst s4  }
0xd: {  	[smem:$0x3FB3] =	sst s5  }
0xe: {  	[smem:$0x3FB4] =	sst s6  }
0xf: {  	[smem:$0x3FB5] =	sst s7  }
0x10: {  	[smem:$0x3FB6] =	sst s8  }
0x11: {  	[smem:$0x3FB7] =	sst s9;
	s0 =	simm.s32 @!p0 $0x0  }
0x12: {  	s1 =	sld [smem:$0x3F9D];
	s0 =	simm.s32 @p0 $0x1  }
0x13: {  	[smem:$0x3FB8] =	sst s0;
	s0 =	simm.s32 @!p1 $0x0  }
0x14: {  	s2 =	sld [smem:$0x3F9C];
	s0 =	simm.s32 @p1 $0x1  }
0x15: {  	[smem:$0x3FB9] =	sst s0;
	s0 =	simm.s32 @!p2 $0x0  }
0x16: {  	s3 =	sld [smem:$0x3FDB];
	s0 =	simm.s32 @p2 $0x1  }
0x17: {  	s4 =	simm.s32 $0x1BF5;
	[smem:$0x3FBB] =	sst s0  }
0x18: {  	s0 =	sld [smem:$0x3F9E];
	_ =	swait.ge [sflag:s4], $0x0  }
0x19: {  	s7 =	sld [smem:$0x3F9F]  }
0x1a: {  	s8 =	sadd.s32 $0xFFFFE003, lr  }
0x1b: {  	s9 =	sadd.s32 $0xFFFFFEF7, lr;
	s5 =	simm.s32 $0xFFFFFFFF;
	p2 =	slt.u32 s8, $0xFFFFF086  }
0x1c: {  	p1 =	slt.u32 s9, $0xF7A;
	s5 =	simm.s32 @!p2 $0x0  }
0x1d: {  	s5 =	simm.s32 @p1 $0x1;
	p0 =	seq.s32 s7, s2  }
0x1e: {  	s7 =	smul.u32 @!p0 $0xF7A, s2;
	p2 =	seq.s32 @!p0 s5, $0x0  }
0x1f: {  	s9 =	smul.u32 $0xF7A, s1;
	s8 =	simm.s32 @!p0 $0x1BF5;
	p2 =	por !p2, p0  }
0x20: {  	[sflag:s8] =	ssyncset.s32 @!p0 $0xFFFFF086;
	s6 =	sadd.s32 @!p0 s3, s7;
	s7 =	simm.s32 @!p0 $0x108  }
0x21: {  	s3 =	sadd.s32 s3, s9;
	s6 =	sadd.s32 @!p0 $0x88, s6;
	s7 =	simm.s32 @p2 $0x1082  }
0x22: {  	[simem:s7], [sflag:s8] =	dma.local @!p0 [hbm:s6], $0xF7A  }
0x23: {  	s9 =	sor.u32 $0xD0000000, s2;
	s6 =	simm.s32 $0x108;
	_ =	swait.ge @!p0 [sflag:s8], $0x0  }
0x24: {  	s3 =	sadd.s32 $0x88, s3;
	s6 =	simm.s32 @!p1 $0x1082;
	[sflag:s4] =	ssyncset.s32 $0xFFFFF086  }
0x25: {  	[simem:s6], [sflag:s4] =	dma.local [hbm:s3], $0xF7A  }
0x26: {  	[smem:$0x3F9F] =	sst s1;
	(tag) =	ssettag s2;
	_ =	strace s9  }
0x27: {  	s1 =	sld [smem:$0x3FAF]  }
0x28: {  	s2 =	sld [smem:$0x3FB0]  }
0x29: {  	s4 =	sld [smem:$0x3FB2]  }
0x2a: {  	p0 =	seq.s32 s5, $0x0;
	s5 =	sld [smem:$0x3FB3]  }
0x2b: {  	s6 =	sld [smem:$0x3FB4]  }
0x2c: {  	s7 =	sld [smem:$0x3FB5]  }
0x2d: {  	s3 =	simm.s32 $0x108;
	s8 =	sld [smem:$0x3FB6]  }
0x2e: {  	s3 =	simm.s32 @!p0 $0x1082;
	s9 =	sld [smem:$0x3FB7]  }
0x2f: {  	lr =	sadd.s32 s0, s3;
	s0 =	sld [smem:$0x3FAE]  }
0x30: {  	s3 =	sld [smem:$0x3FB1]  }
0x31: {  	[smem:$0x3FBA] =	sst s10  }
0x32: {  	s10 =	sld [smem:$0x3FB8];
	_ =	sdelay $0x3  }
0x33: {  	p0 =	seq.s32 s10, $0x1;
	s10 =	sld [smem:$0x3FBA];
	_ =	sdelay $0x3  }
0x34: {  	[smem:$0x3FBA] =	sst s10  }
0x35: {  	s10 =	sld [smem:$0x3FB9];
	_ =	sdelay $0x3  }
0x36: {  	p1 =	seq.s32 s10, $0x1;
	s10 =	sld [smem:$0x3FBA];
	_ =	sdelay $0x3  }
0x37: {  	[smem:$0x3FBA] =	sst s10  }
0x38: {  	s10 =	sld [smem:$0x3FBB]  }
0x39: {  	_ = 	snop;
	(pc) =	sbr.ind lr, $3  }
0x3a: {  	_ = 	snop  }
0x3b: {  	_ = 	snop  }
0x3c: {  	p2 =	seq.s32 s10, $0x1;
	s10 =	sld [smem:$0x3FBA]  }
0x3d: {  	_ =	shalt  }
0x3e: {  	_ =	shalt  }
0x3f: {  	_ =	shalt  }
0x40: {  	_ =	shalt  }
0x41: {  	_ =	shalt  }
0x42: {  	_ =	shalt  }
0x43: {  	_ =	shalt  }
0x44: {  	_ =	shalt  }
0x45: {  	_ =	shalt  }
0x46: {  	_ =	shalt  }
0x47: {  	_ =	shalt  }
0x48: {  	_ =	shalt  }
0x49: {  	_ =	shalt  }
0x4a: {  	_ =	shalt  }
0x4b: {  	_ =	shalt  }
0x4c: {  	_ =	shalt  }
0x4d: {  	_ =	shalt  }
0x4e: {  	_ =	shalt  }
0x4f: {  	_ =	shalt  }
0x50: {  	_ =	shalt  }
0x51: {  	_ =	shalt  }
0x52: {  	_ =	shalt  }
0x53: {  	_ =	shalt  }
0x54: {  	_ =	shalt  }
0x55: {  	_ =	shalt  }
0x56: {  	_ =	shalt  }
0x57: {  	_ =	shalt  }
0x58: {  	_ =	shalt  }
0x59: {  	_ =	shalt  }
0x5a: {  	_ =	shalt  }
0x5b: {  	_ =	shalt  }
0x5c: {  	_ =	shalt  }
0x5d: {  	_ =	shalt  }
0x5e: {  	_ =	shalt  }
0x5f: {  	_ =	shalt  }
0x60: {  	_ =	shalt  }
0x61: {  	_ =	shalt  }
0x62: {  	_ =	shalt  }
0x63: {  	_ =	shalt  }
0x64: {  	_ =	shalt  }
0x65: {  	_ =	shalt  }
0x66: {  	_ =	shalt  }
0x67: {  	_ =	shalt  }
0x68: {  	_ =	shalt  }
0x69: {  	_ =	shalt  }
0x6a: {  	_ =	shalt  }
0x6b: {  	_ =	shalt  }
0x6c: {  	_ =	shalt  }
0x6d: {  	_ =	shalt  }
0x6e: {  	_ =	shalt  }
0x6f: {  	_ =	shalt  }
0x70: {  	_ =	shalt  }
0x71: {  	_ =	shalt  }
0x72: {  	_ =	shalt  }
0x73: {  	_ =	shalt  }
0x74: {  	_ =	shalt  }
0x75: {  	_ =	shalt  }
0x76: {  	_ =	shalt  }
0x77: {  	_ =	shalt  }
0x78: {  	_ =	shalt  }
0x79: {  	_ =	shalt  }
0x7a: {  	_ =	shalt  }
0x7b: {  	_ =	shalt  }
0x7c: {  	_ =	shalt  }
0x7d: {  	_ =	shalt  }
0x7e: {  	_ =	shalt  }
0x7f: {  	_ =	shalt  }
0x80: {  	_ =	shalt  }
0x81: {  	_ =	shalt  }
0x82: {  	_ =	shalt  }
0x83: {  	_ =	shalt  }
0x84: {  	_ =	shalt  }
0x85: {  	_ =	shalt  }
0x86: {  	_ =	shalt  }
0x87: {  	_ =	shalt  }
.Lfunc_end0:
.L_simem_size_0:
called_computation_lowered:
.L_overlay_start_0:
0x88: {  	s2 =	sld [smem:$0x3FD9]  }
0x89: {  	s3 =	sld [smem:$0x3FFE];
	_ =	sdelay $0x1  }
0x8a: {  	s1 =	srdreg.scid  }
0x8b: {  	s0 =	sand.u32 $0x1, s1  }
0x8c: {  	s17 =	sshll.u32 s0, $0xA;
	s2 =	sadd.s32 s3, s2  }
0x8d: {  	s2 =	sadd.s32 s2, s17  }
0x8e: {  	[smem:$0x3FC6] =	sst s2  }
0x8f: {  	_ = 	snop  }
0x90: {  	s2 =	sld [smem:$0x3FC9];
	(tm) =	ssettm $0x1  }
0x91: {  	s18 =	sld [smem:$0x3FFB];
	_ =	sdelay $0x3  }
0x92: {  	_ =	strace s18  }
0x93: {  	s3 =	sld [smem:$0x3FFC];
	_ =	sdelay $0x3  }
0x94: {  	_ =	strace s3  }
0x95: {  	s3 =	sld [smem:$0x3FFD];
	_ =	sdelay $0x3  }
0x96: {  	_ =	strace s3  }
0x97: {  	_ =	strace $0x8FFFFFFF  }
0x98: {  	s19 =	sld [smem:$0x3FDB];
	_ =	sdelay $0x1  }
0x99: {  	s4 =	simm.s32 $_scs_section_size  }
0x9a: {  	s5 =	simm.s32 $_size__tile_overlayer_lowered;
	s6 =	simm.s32 $_tile_overlayer_lowered  }
0x9b: {  	s22 =	simm.s32 $0x1BFF;
	s21 =	sshll.u32 s6, $0x1;
	s3 =	sadd.s32 s4, s19  }
0x9c: {  	s7 =	simm.s32 $0x0;
	s20 =	sshll.u32 s5, $0x1;
	s5 =	sadd.s32 s21, s3  }
0x9d: {  	[timem:s7], [sflag:s22] =	dma.local [hbm:s5], s20  }
0x9e: {  	_ =	swait.ge [sflag:s22], s20  }
0x9f: {  	s4 =	ssub.s32 $0x0, s20;
	[sflag:s22] =	ssyncset.done $0x0  }
0xa0: {  	[sflag:s22] =	ssyncadd.s32 s4;
	_ =	sdelay $0x1  }
0xa1: {  	s23 =	simm.s32 $0x1B8B  }
0xa2: {  	_ =	swait.ge [sflag:s23], $0x1  }
0xa3: {  	[sflag:s23] =	ssyncset.done $0x0  }
0xa4: {  	s25 =	simm.s32 $0x1B8E;
	s24 =	sld [smem:$0x3FFE];
	[sflag:s23] =	ssyncadd.s32 $0xFFFFFFFF  }
0xa5: {  	s26 =	simm.s32 $execute0_lowered;
	[smem:$0x3FD2] =	sst s25  }
0xa6: {  	s5 =	sshll.u32 s26, $0x1;
	_ =	strace $0x80000046;
	[dreg:$0x1] =	wrdreg $0xFFFFFFFF  }
0xa7: {  	s28 =	simm.s32 $_size_execute0_lowered;
	s3 =	sadd.s32 s3, s5;
	[dreg:$0x0] =	wrdreg $0x0  }
0xa8: {  	s5 =	sshll.u32 s28, $0x1;
	[dreg:$0x2] =	wrdreg s3  }
0xa9: {  	[dreg:$0x3] =	wrdreg s5  }
0xaa: {  	[dreg:$0x4] =	wrdreg $0xC0  }
0xab: {  	_ =	task [dreg:s7], $0x5FFFF  }
0xac: {  	[dreg:$0x1] =	wrdreg $0xFFFFFFFF  }
0xad: {  	[dreg:$0x0] =	wrdreg $0x60  }
0xae: {  	[dreg:$0x2] =	wrdreg s2  }
0xaf: {  	[dreg:$0x3] =	wrdreg s24  }
0xb0: {  	[dreg:$0x4] =	wrdreg $0x9  }
0xb1: {  	_ =	task.clear_ibuf [dreg:s7], $0x5FFFF;
	_ =	strace $0x90000046  }
0xb2: {  	s29 =	simm.s32 $0x9;
	_ =	strace $0x80000048  }
0xb3: {  	_ =	swait.ge [sflag:s29], $0x1  }
0xb4: {  	[sflag:s29] =	ssyncadd.s32 $0xFFFFFFFF  }
0xb5: {  	_ =	strace $0x90000048  }
0xb6: {  	_ =	sfence  }
0xb7: {  	s30 =	sld [smem:$0x0];
	_ =	sdelay $0x2  }
0xb8: {  	s31 =	sshll.u32 s1, $0xD;
	s1 =	sshrl.u32 s1, $0x2  }
0xb9: {  	s3 =	sand.u32 $0x4000, s31;
	s1 =	sadd.s32 s1, s30  }
0xba: {  	s0 =	sor.u32 s3, s0;
	s1 =	sshll.u32 s1, $0x11  }
0xbb: {  	s0 =	sor.u32 s1, s0  }
0xbc: {  	s0 =	sadd.s32 $0x8F2B, s0  }
0xbd: {  	[sflag:s0] =	ssyncadd.remote.s32 $0x1  }
0xbe: {  	_ =	sfence.sel $0xFFFF  }
0xbf: {  	[dreg:$0x0] =	wrdreg $0xFFFFFFFF;
	(pc) =	sbr.abs _section_cstart, $3  }
0xc0: {  	[dreg:$0x1] =	wrdreg $0xFFFFFFFF  }
0xc1: {  	_ =	task.clear_ibuf [dreg:s7], $0x2FFFF;
	_ =	strace $0x9FFFFFFF  }
0xc2: {  	(tm) =	ssettm $0x7FFFFFFF  }
0xc3: {  	_ =	shalt  }
tec
execute0_lowered:
.L_overlay_start_1:
0x0: {  	(tag) =	ssettag $0x1  }
0x1: {  	s1 =	rddreg [dreg:$0x0]  }
0x2: {  	s0 =	rddreg [dreg:$0x1];
	s2 =	simm.s32 $0x0  }
0x3: {  	s3 =	srdreg.scid;
	s6 =	stileid.u32;
	s14 =	simm.s32 $0x18700  }
0x4: {  	s15 =	simm.s32 $0x3;
	s16 =	simm.s32 $0x80;
	s17 =	simm.s32 $0x400  }
0x5: {  	s18 =	simm.s32 $0x1;
	s19 =	simm.s32 $0xC300;
	s20 =	simm.s32 $0x2  }
0x6: {  	s22 =	simm.s32 $0x18880;
	s23 =	simm.s32 $0x18900;
	s24 =	simm.s32 $0x18980  }
0x7: {  	s25 =	simm.s32 $0x18A00;
	s26 =	simm.s32 $0x0;
	s3 =	sand.u32 $0x1, s3  }
0x8: {  	[smem:$0x7FF] =	sst s2;
	s4 =	sadd.s32 $0xA00, s0;
	s5 =	sshll.u32 s3, $0x4  }
0x9: {  	_ =	strace $0x80000047;
	s3 =	ssub.s32 $0x2, s3;
	s7 =	sor.u32 s6, s5  }
.Ltmp0:
0xa: {  	s31 =	sshrl.u32 s3, $0x1;
	s5 =	sshll.u32 s7, $0x4;
	(pc) =	sbr.rel .LBB2_1-.Ltmp0, $4  }
0xb: {  	s8 =	smul.u32 $0x18700, s7;
	s3 =	ssub.s32 s3, s31;
	s0 =	sadd.s32 s5, s0  }
0xc: {  	s5 =	sshll.u32 s7, $0x3;
	s7 =	smul.u32 $0xC3800, s7;
	s13 =	smax.u32 s3, $0x1  }
0xd: {  	s6 =	sadd.s32 s1, s8;
	s8 =	sadd.s32 $0xC00, s0;
	s9 =	sadd.s32 $0xE00, s0  }
0xe: {  	v0 =	vlaneseq.u32;
	s10 =	sadd.s32 $0x1000, s0;
	s11 =	sadd.s32 $0x1200, s0;
	s12 =	sadd.s32 $0x1400, s0  }
.LBB2_14:
0xf: {  	s0 =	simm.s32 $0x18800  }
0x10: {  	[hbm4b:s8+s2] =	stream.linear.scatter [tilespmem:s0], [sflag:$0x3], $0x80, $0x38;
	[tilespmem:$0x18A80] =	vst v63  }
0x11: {  	_ =	swait.ge [sflag:s15], $0x80  }
0x12: {  	[sflag:s15] =	ssyncset.done $0x0  }
0x13: {  	[sflag:s15] =	ssyncadd.s32 $0xFFFFFF80  }
0x14: {  	[hbm4b:s9+s2] =	stream.linear.scatter [tilespmem:s22], [sflag:$0x3], $0x80, $0x38;
	[tilespmem:$0x18A80] =	vst v63  }
0x15: {  	_ =	swait.ge [sflag:s15], $0x80  }
0x16: {  	[sflag:s15] =	ssyncset.done $0x0  }
0x17: {  	[sflag:s15] =	ssyncadd.s32 $0xFFFFFF80  }
0x18: {  	[hbm4b:s10+s2] =	stream.linear.scatter [tilespmem:s23], [sflag:$0x3], $0x80, $0x38;
	[tilespmem:$0x18A80] =	vst v63  }
0x19: {  	_ =	swait.ge [sflag:s15], $0x80  }
0x1a: {  	[sflag:s15] =	ssyncset.done $0x0  }
0x1b: {  	[sflag:s15] =	ssyncadd.s32 $0xFFFFFF80  }
0x1c: {  	[hbm4b:s11+s2] =	stream.linear.scatter [tilespmem:s24], [sflag:$0x3], $0x80, $0x38;
	[tilespmem:$0x18A80] =	vst v63  }
0x1d: {  	s26 =	sadd.s32 $0x1, s26;
	_ =	swait.ge [sflag:s15], $0x80  }
0x1e: {  	p0 =	sne.s32 s26, s13;
	[sflag:s15] =	ssyncset.done $0x0  }
.Ltmp1:
0x1f: {  	[sflag:s15] =	ssyncadd.s32 $0xFFFFFF80;
	(pc) =	sbr.rel @!p0 .LBB2_15-.Ltmp1, $4  }
0x20: {  	[hbm4b:s12+s2] =	stream.linear.scatter [tilespmem:s25], [sflag:$0x3], $0x80, $0x38;
	[tilespmem:$0x18A80] =	vst v63  }
0x21: {  	_ =	swait.ge [sflag:s15], $0x80  }
0x22: {  	[sflag:s15] =	ssyncset.done $0x0  }
0x23: {  	[sflag:s15] =	ssyncadd.s32 $0xFFFFFF80  }
.LBB2_1:
0x24: {  	[tilespmem:s14], [sflag:$0x3] =	stream.linear.gather [hbm4b:s4+s2], $0x100, $0x38;
	[tilespmem:$0x18A80] =	vst v63  }
.Ltmp2:
0x25: {  	_ = 	snop;
	(pc) =	sbr.rel .LBB2_2-.Ltmp2, $4  }
0x26: {  	_ =	swait.ge [sflag:s15], $0x100  }
0x27: {  	[sflag:s15] =	ssyncset.done $0x0  }
0x28: {  	s28 =	simm.s32 $0x0;
	[sflag:s15] =	ssyncadd.s32 $0xFFFFFF00  }
0x29: {  	[tilespmem:s2], [sflag:$0x1] =	stream.strided.gather [hbm4b:s6+s16], $0xC300, s17, s16, $0x38;
	[tilespmem:$0x18A80] =	vst v63  }
.LBB2_7:
0x2a: {  	v9 =	vimm.s32 $0x40000000  }
.LBB2_13:
0x2b: {  	v5 =	vadd.f32 v6, v5;
	_ =	sdelay $0x1  }
0x2c: {  	s0 =	sshll.u32 s28, $0x4;
	s28 =	sadd.s32 $0x1, s28;
	v5 =	vadd.f32 v8, v5  }
0x2d: {  	p0 =	sne.s32 s28, $0x8  }
.Ltmp3:
0x2e: {  	[tilespmem:s0+$0x18800] =	vst v3;
	v5 =	vadd.f32 v7, v5;
	(pc) =	sbr.rel @!p0 .LBB2_14-.Ltmp3, $4  }
0x2f: {  	[tilespmem:s0+$0x18900] =	vst v9  }
0x30: {  	[tilespmem:s0+$0x18980] =	vst v2;
	v4 =	vadd.f32 v4, v5  }
0x31: {  	[tilespmem:s0+$0x18A00] =	vst v1  }
0x32: {  	[tilespmem:s0+$0x18880] =	vst v4  }
.LBB2_2:
0x33: {  	s0 =	sshll.u32 s28, $0x7  }
0x34: {  	s0 =	sadd.s32 s7, s0  }
0x35: {  	_ =	swait.ge [sflag:s18], $0xC300;
	s0 =	sshrl.u32 s0, $0x3  }
0x36: {  	[sflag:s18] =	ssyncset.done $0x0;
	s30 =	sadd.s32 s1, s0  }
0x37: {  	s3 =	simm.s32 $0x0;
	[sflag:s18] =	ssyncadd.s32 $0xFFFF3D00;
	s0 =	sadd.s32 $0xC300, s30  }
0x38: {  	[tilespmem:s19], [sflag:$0x2] =	stream.strided.gather [hbm4b:s0+s16], $0xC400, s17, s16, $0x38;
	[tilespmem:$0x18A80] =	vst v63  }
0x39: {  	v1 =	vld [tilespmem:s3+$0x40]  }
0x3a: {  	v3 =	vld [tilespmem:s3+$0x0]  }
0x3b: {  	v4 =	vld [tilespmem:s3+$0x10]  }
0x3c: {  	v5 =	vld [tilespmem:s3+$0x20]  }
0x3d: {  	v6 =	vld [tilespmem:s3+$0x30]  }
0x3e: {  	s21 =	simm.s32 $0x50;
	v2 =	vmul.f32 $1.442695020e+00, v1  }
0x3f: {  	v8 =	vld [tilespmem:s21+$0x40];
	v7 =	vmul.f32 $1.442695020e+00, v3  }
0x40: {  	v10 =	vld [tilespmem:s21+$0x0];
	v9 =	vmul.f32 $1.442695020e+00, v4;
	(erf) = vpow2.f32 v2  }
0x41: {  	v12 =	vimm.f32 $-Inf;
	v2 =	vmul.f32 $1.442695020e+00, v5;
	(erf) = vpow2.f32 v7;
	v7 =	vld [tilespmem:s21+$0x10]  }
0x42: {  	v13 =	vld [tilespmem:s21+$0x20];
	v11 =	vmul.f32 $1.442695020e+00, v6;
	v1 =	vmax.f32 v12, v1;
	(erf) = vpow2.f32 v9  }
0x43: {  	v3 =	vmax.f32 v12, v3;
	v4 =	vmax.f32 v12, v4;
	(erf) = vpow2.f32 v2  }
0x44: {  	s29 =	sadd.s32 s5, s28;
	s31 =	simm.s32 $0xA0;
	v14 =	vld [tilespmem:s21+$0x30];
	v6 =	vmax.f32 v12, v6;
	(erf) = vpow2.f32 v11;
	v11 =	vmul.f32 $1.442695020e+00, v8  }
0x45: {  	v15 =	vld [tilespmem:s31+$0x40];
	v5 =	vmax.f32 v12, v5;
	v12 =	vmul.f32 $1.442695020e+00, v10;
	v9 =	vmov s29  }
0x46: {  	v8 =	vmax.f32 v1, v8;
	v1 =	vmul.f32 $1.442695020e+00, v7;
	(erf) = vpow2.f32 v11  }
0x47: {  	v17 =	vld [tilespmem:s31+$0x0];
	v11 =	vmax.f32 v3, v10;
	v10 =	vmul.f32 $1.442695020e+00, v13;
	(erf) = vpow2.f32 v12  }
0x48: {  	v3 =	vmax.f32 v4, v7;
	v4 =	vmax.f32 v5, v13;
	v13 =	vld [tilespmem:s31+$0x20];
	(erf) = vpow2.f32 v1  }
0x49: {  	v7 =	vmul.f32 $1.442695020e+00, v14;
	v12 =	vpop (erf);
	(erf) = vpow2.f32 v10;
	v10 =	vld [tilespmem:s31+$0x10]  }
0x4a: {  	v16 =	vmul.f32 $1.442695020e+00, v15;
	v2 =	vimm.f32 $0.0e+00;
	v1 =	vld.idx.msk [tilespmem:v9+s14+$0x0], $0xffff;
	v9 =	vpop (erf)  }
0x4b: {  	v5 =	vmax.f32 v6, v14;
	v14 =	vld [tilespmem:s31+$0x30];
	(erf) = vpow2.f32 v7;
	v7 =	vadd.f32 v9, v2;
	v9 =	vpop (erf)  }
0x4c: {  	v8 =	vmax.f32 v8, v15;
	v11 =	vmax.f32 v11, v17;
	v6 =	vadd.f32 v12, v2;
	v12 =	vpop (erf)  }
0x4d: {  	s0 =	simm.s32 $0xF0;
	s3 =	simm.s32 $0x500;
	v17 =	vmul.f32 $1.442695020e+00, v17;
	v9 =	vadd.f32 v9, v2;
	v12 =	vadd.f32 v12, v2;
	v15 =	vpop (erf)  }
.LBB2_3:
0x4e: {  	p0 =	sne.s32 s3, $0x30AC0;
	v18 =	vld [tilespmem:s0+$0x40];
	v20 =	vmul.f32 $1.442695020e+00, v10;
	(erf) = vpow2.f32 v16;
	v2 =	vadd.f32 v15, v2  }
0x4f: {  	v3 =	vmax.f32 v3, v10;
	v15 =	vld [tilespmem:s0+$0x0];
	v21 =	vmul.f32 $1.442695020e+00, v13;
	(erf) = vpow2.f32 v17  }
.Ltmp4:
0x50: {  	v4 =	vmax.f32 v4, v13;
	v10 =	vld [tilespmem:s0+$0x10];
	v22 =	vmul.f32 $1.442695020e+00, v14;
	(erf) = vpow2.f32 v20;
	v19 =	vpop (erf);
	(pc) =	sbr.rel @p0 .LBB2_3-.Ltmp4, $4  }
0x51: {  	v5 =	vmax.f32 v5, v14;
	v13 =	vld [tilespmem:s0+$0x20];
	(erf) = vpow2.f32 v21;
	v6 =	vadd.f32 v19, v6;
	v16 =	vpop (erf)  }
0x52: {  	v14 =	vld [tilespmem:s0+$0x30];
	(erf) = vpow2.f32 v22;
	v7 =	vadd.f32 v16, v7;
	v17 =	vpop (erf)  }
0x53: {  	v8 =	vmax.f32 v8, v18;
	v16 =	vmul.f32 $1.442695020e+00, v18;
	v9 =	vadd.f32 v17, v9;
	v18 =	vpop (erf)  }
0x54: {  	s0 =	sshra.s32 s3, $0x2;
	s3 =	sadd.s32 $0x140, s3;
	v11 =	vmax.f32 v11, v15;
	v17 =	vmul.f32 $1.442695020e+00, v15;
	v12 =	vadd.f32 v18, v12;
	v15 =	vpop (erf)  }
0x55: {  	v18 =	vld [tilespmem:s0+$0x40]  }
0x56: {  	v19 =	vld [tilespmem:s0+$0x0]  }
0x57: {  	v20 =	vmul.f32 $1.442695020e+00, v10;
	(erf) = vpow2.f32 v16;
	v16 =	vld [tilespmem:s0+$0x10]  }
0x58: {  	v21 =	vmul.f32 $1.442695020e+00, v13;
	(erf) = vpow2.f32 v17;
	v17 =	vld [tilespmem:s0+$0x20]  }
0x59: {  	v22 =	vmul.f32 $1.442695020e+00, v14;
	(erf) = vpow2.f32 v20;
	v20 =	vld [tilespmem:s0+$0x30]  }
0x5a: {  	(erf) = vpow2.f32 v21;
	v54 =	vmul.f32 $1.442695020e+00, v18  }
0x5b: {  	v23 =	vpop (erf);
	(erf) = vpow2.f32 v22;
	v55 =	vmul.f32 $1.442695020e+00, v19  }
0x5c: {  	v24 =	vpop (erf);
	v25 =	vmul.f32 $1.442695020e+00, v16;
	(erf) = vpow2.f32 v54  }
0x5d: {  	v56 =	vpop (erf);
	v26 =	vmul.f32 $1.442695020e+00, v17;
	(erf) = vpow2.f32 v55  }
0x5e: {  	v57 =	vpop (erf);
	v27 =	vmul.f32 $1.442695020e+00, v20;
	(erf) = vpow2.f32 v25  }
0x5f: {  	v58 =	vpop (erf);
	(erf) = vpow2.f32 v26  }
0x60: {  	v59 =	vpop (erf);
	(erf) = vpow2.f32 v27  }
0x61: {  	v60 =	vpop (erf)  }
0x62: {  	v28 =	vpop (erf)  }
0x63: {  	vm0 =	vgt.s32 v1, $0x0;
	v29 =	vpop (erf)  }
0x64: {  	v30 =	vnsel vm0, $0x0, v1;
	v31 =	vpop (erf)  }
0x65: {  	p0 =	seq.s32 s28, $0x7;
	v30 =	vmin.u32 v30, $0xC2FF;
	v32 =	vpop (erf)  }
0x66: {  	s0 =	sadd.s32 @!p0 $0x1, s29;
	v33 =	vpop (erf)  }
0x67: {  	s3 =	sshrl.u32 @!p0 s0, $0x3;
	v34 =	vpop (erf)  }
0x68: {  	s0 =	sshll.u32 @!p0 s0, $0x7;
	s3 =	smul.u32 @!p0 $0xC3800, s3;
	v35 =	vpop (erf)  }
0x69: {  	s0 =	sand.u32 @!p0 $0x380, s0;
	v36 =	vpop (erf)  }
0x6a: {  	s31 =	simm.s32 @!p0 $0x0;
	s0 =	sor.u32 @!p0 s0, s3;
	v30 =	vld.idx.msk [tilespmem:v30+s2+$0x0], $0xffff;
	_ =	swait.ge [sflag:s20], $0xC400  }
0x6b: {  	s3 =	simm.s32 @!p0 $0x400;
	s0 =	sshrl.u32 @!p0 s0, $0x3;
	[sflag:s20] =	ssyncset.done $0x0  }
0x6c: {  	s29 =	sadd.s32 @!p0 s1, s0;
	s0 =	simm.s32 @!p0 $0x80;
	[sflag:s20] =	ssyncadd.s32 $0xFFFF3C00  }
0x6d: {  	[tilespmem:s31], [sflag:$0x1] =	stream.strided.gather @!p0 [hbm4b:s29+s0], $0xC300, s3, s0, $0x38;
	[tilespmem:$0x18A80] =	vst v63  }
0x6e: {  	s3 =	simm.s32 $0x0  }
0x6f: {  	v3 =	vmax.f32 v3, v10;
	v10 =	vld [tilespmem:s3+$0xC340]  }
0x70: {  	v2 =	vadd.f32 v15, v2;
	v4 =	vmax.f32 v4, v13;
	v5 =	vmax.f32 v5, v14;
	v13 =	vld [tilespmem:s3+$0xC300]  }
0x71: {  	v6 =	vadd.f32 v23, v6;
	v7 =	vadd.f32 v24, v7;
	v8 =	vmax.f32 v8, v18;
	v14 =	vld [tilespmem:s3+$0xC310]  }
0x72: {  	v9 =	vadd.f32 v56, v9;
	v11 =	vmax.f32 v11, v19;
	v3 =	vmax.f32 v3, v16;
	v16 =	vld [tilespmem:s3+$0xC320]  }
0x73: {  	v15 =	vmax.f32 v4, v17;
	v4 =	vadd.f32 v59, v6;
	v6 =	vadd.f32 v60, v7;
	v7 =	vld [tilespmem:s3+$0xC330]  }
0x74: {  	v12 =	vadd.f32 v57, v12;
	v5 =	vmax.f32 v5, v20;
	v17 =	vmul.f32 $1.442695020e+00, v10  }
0x75: {  	s21 =	simm.s32 $0x50;
	v9 =	vadd.f32 v28, v9;
	v18 =	vadd.f32 v32, v4;
	v4 =	vmul.f32 $1.442695020e+00, v13  }
0x76: {  	v12 =	vadd.f32 v29, v12;
	v19 =	vld [tilespmem:s21+$0xC340];
	(erf) = vpow2.f32 v17;
	v17 =	vmul.f32 $1.442695020e+00, v14  }
0x77: {  	v20 =	vadd.f32 v34, v9;
	v9 =	vld [tilespmem:s21+$0xC300];
	v61 =	vmul.f32 $1.442695020e+00, v16;
	(erf) = vpow2.f32 v4  }
0x78: {  	v62 =	vadd.f32 v35, v12;
	v12 =	vld [tilespmem:s21+$0xC310];
	(erf) = vpow2.f32 v17;
	v17 =	vmul.f32 $1.442695020e+00, v7  }
0x79: {  	v8 =	vmax.f32 v8, v10;
	v10 =	vld [tilespmem:s21+$0xC320];
	(erf) = vpow2.f32 v61  }
0x7a: {  	(erf) = vpow2.f32 v17;
	v17 =	vld [tilespmem:s21+$0xC330]  }
0x7b: {  	v2 =	vadd.f32 v58, v2;
	v11 =	vmax.f32 v11, v13;
	v3 =	vmax.f32 v3, v14  }
0x7c: {  	v13 =	vmul.f32 $1.442695020e+00, v19;
	v5 =	vmax.f32 v5, v7;
	v8 =	vmax.f32 v8, v19  }
0x7d: {  	s31 =	simm.s32 $0xA0;
	v14 =	vmax.f32 v15, v16;
	v16 =	vmul.f32 $1.442695020e+00, v12;
	v7 =	vmul.f32 $1.442695020e+00, v9  }
0x7e: {  	v63 =	vld [tilespmem:s31+$0xC300];
	v19 =	vmax.f32 v11, v9;
	v9 =	vmul.f32 $1.442695020e+00, v10;
	(erf) = vpow2.f32 v13  }
0x7f: {  	vm15 =	vlt.u32 v1, $0xC300;
	v15 =	vld [tilespmem:s31+$0xC340];
	(erf) = vpow2.f32 v7;
	v7 =	vmul.f32 $1.442695020e+00, v17  }
0x80: {  	v2 =	vadd.f32 v31, v2;
	v6 =	vadd.f32 v33, v6;
	(erf) = vpow2.f32 v16;
	v11 =	vpop (erf)  }
0x81: {  	v12 =	vmax.f32 v3, v12;
	v13 =	vmax.f32 v14, v10;
	(erf) = vpow2.f32 v9;
	v9 =	vld [tilespmem:s31+$0xC310];
	v10 =	vpop (erf)  }
0x82: {  	v4 =	vadd.f32 v36, v2;
	v2 =	vnsel vm15, $0x0, v30;
	v6 =	vadd.f32 v10, v6;
	v10 =	vld [tilespmem:s31+$0xC320]  }
0x83: {  	v3 =	vmax.f32 v5, v17;
	v5 =	vadd.f32 v11, v18;
	v11 =	vld [tilespmem:s31+$0xC330];
	(erf) = vpow2.f32 v7;
	v7 =	vpop (erf)  }
0x84: {  	v14 =	vmax.f32 v8, v15;
	v16 =	vmax.f32 v19, v63;
	v17 =	vmul.f32 $1.442695020e+00, v15;
	v8 =	vpop (erf)  }
0x85: {  	s0 =	simm.s32 $0xF0;
	s3 =	simm.s32 $0x500;
	v18 =	vmul.f32 $1.442695020e+00, v63;
	v7 =	vadd.f32 v7, v20;
	v8 =	vadd.f32 v8, v62;
	v15 =	vpop (erf)  }
.LBB2_5:
0x86: {  	p1 =	sne.s32 s3, $0x30D40;
	v19 =	vld [tilespmem:s0+$0xC340];
	v21 =	vmul.f32 $1.442695020e+00, v9;
	(erf) = vpow2.f32 v17;
	v4 =	vadd.f32 v15, v4  }
0x87: {  	v12 =	vmax.f32 v12, v9;
	v15 =	vld [tilespmem:s0+$0xC300];
	v22 =	vmul.f32 $1.442695020e+00, v10;
	(erf) = vpow2.f32 v18  }
.Ltmp5:
0x88: {  	v13 =	vmax.f32 v13, v10;
	v9 =	vld [tilespmem:s0+$0xC310];
	v23 =	vmul.f32 $1.442695020e+00, v11;
	(erf) = vpow2.f32 v21;
	v20 =	vpop (erf);
	(pc) =	sbr.rel @p1 .LBB2_5-.Ltmp5, $4  }
0x89: {  	v3 =	vmax.f32 v3, v11;
	v10 =	vld [tilespmem:s0+$0xC320];
	(erf) = vpow2.f32 v22;
	v5 =	vadd.f32 v20, v5;
	v17 =	vpop (erf)  }
0x8a: {  	v11 =	vld [tilespmem:s0+$0xC330];
	(erf) = vpow2.f32 v23;
	v6 =	vadd.f32 v17, v6;
	v18 =	vpop (erf)  }
0x8b: {  	v14 =	vmax.f32 v14, v19;
	v17 =	vmul.f32 $1.442695020e+00, v19;
	v7 =	vadd.f32 v18, v7;
	v19 =	vpop (erf)  }
0x8c: {  	s0 =	sshra.s32 s3, $0x2;
	s3 =	sadd.s32 $0x140, s3;
	v16 =	vmax.f32 v16, v15;
	v18 =	vmul.f32 $1.442695020e+00, v15;
	v8 =	vadd.f32 v19, v8;
	v15 =	vpop (erf)  }
0x8d: {  	v19 =	vadd.s32 $0xFFFF3D00, v1  }
0x8e: {  	vm0 =	vgt.s32 v19, $0x0  }
0x8f: {  	v20 =	vld [tilespmem:s0+$0xC300];
	v21 =	vnsel vm0, $0x0, v19  }
0x90: {  	v22 =	vld [tilespmem:s0+$0xC310];
	v21 =	vmin.u32 v21, $0xC39F  }
0x91: {  	v23 =	vld [tilespmem:s0+$0xC320]  }
0x92: {  	v24 =	vld [tilespmem:s0+$0xC330]  }
0x93: {  	v25 =	vld [tilespmem:s0+$0xC340]  }
0x94: {  	v12 =	vmax.f32 v12, v9  }
0x95: {  	v13 =	vmax.f32 v13, v10;
	v16 =	vmax.f32 v16, v20;
	v12 =	vmax.f32 v12, v22;
	v21 =	vld.idx.msk [tilespmem:v21+s19+$0x0], $0xffff  }
0x96: {  	v3 =	vmax.f32 v3, v11;
	v13 =	vmax.f32 v13, v23;
	v12 =	vmax.f32 v16, v12  }
0x97: {  	v3 =	vmax.f32 v3, v24;
	v12 =	vmax.f32 v12, v13  }
0x98: {  	v3 =	vmax.f32 v12, v3;
	v12 =	vmax.f32 v14, v25  }
0x99: {  	vm15 =	vlt.u32 v19, $0xC3A0;
	v3 =	vmax.f32 v3, v12  }
0x9a: {  	(xrf0) =	vmax.scan.msk.f32 $0xffff, v3;
	v2 =	vsel vm15, v21, v2  }
0x9b: {  	(xrf0) =	vmax.scan.msk.f32 $0xffff, v2;
	_ =	sdelay $0x4  }
0x9c: {  	v12, _, _ =	vpop (xrf0)  }
0x9d: {  	(v2sf) =	vpush v12, $0xF;
	v13, _, _ =	vpop (xrf0)  }
0x9e: {  	v9 =	vmul.f32 $1.442695020e+00, v9;
	(v2sf) =	vpush v13, $0xF  }
0x9f: {  	(erf) = vpow2.f32 v17;
	v10 =	vmul.f32 $1.442695020e+00, v10  }
0xa0: {  	(erf) = vpow2.f32 v18  }
0xa1: {  	v11 =	vmul.f32 $1.442695020e+00, v11;
	(erf) = vpow2.f32 v9  }
0xa2: {  	(erf) = vpow2.f32 v10;
	v9 =	vmul.f32 $1.442695020e+00, v25  }
0xa3: {  	v10 =	vpop (erf);
	(erf) = vpow2.f32 v11;
	v11 =	vmul.f32 $1.442695020e+00, v20  }
0xa4: {  	v14 =	vmul.f32 $1.442695020e+00, v22  }
0xa5: {  	v13 =	vpop (erf);
	(erf) = vpow2.f32 v9  }
0xa6: {  	v59 =	vmul.f32 $1.442695020e+00, v23;
	v9 =	vpop (erf);
	(erf) = vpow2.f32 v11  }
0xa7: {  	v60 =	vmul.f32 $1.442695020e+00, v24;
	v11 =	vpop (erf);
	(erf) = vpow2.f32 v14  }
0xa8: {  	v14 =	vpop (erf);
	(erf) = vpow2.f32 v59  }
0xa9: {  	v61 =	vpop (erf);
	(erf) = vpow2.f32 v60  }
0xaa: {  	v62 =	vpop (erf)  }
0xab: {  	v63 =	vpop (erf)  }
0xac: {  	v5 =	vadd.f32 v10, v5;
	v7 =	vadd.f32 v9, v7;
	v10 =	vpop (erf);
	s31 =	spop (v2sf)  }
0xad: {  	v4 =	vadd.f32 v15, v4;
	v6 =	vadd.f32 v13, v6;
	v9 =	vpop (erf);
	s3 =	spop (v2sf)  }
0xae: {  	v8 =	vadd.f32 v11, v8;
	v7 =	vadd.f32 v63, v7;
	v11 =	vpop (erf);
	p1 =	sne.f32 s3, s31  }
.Ltmp6:
0xaf: {  	v4 =	vadd.f32 v14, v4;
	v5 =	vadd.f32 v61, v5;
	v13 =	vpop (erf);
	(pc) =	sbr.rel @p1 .LBB2_7-.Ltmp6, $4  }
0xb0: {  	v6 =	vadd.f32 v62, v6;
	v8 =	vadd.f32 v10, v8;
	v10 =	vpop (erf)  }
0xb1: {  	v9 =	vadd.f32 v9, v4;
	v4 =	vadd.f32 v11, v5;
	v11 =	vpop (erf)  }
0xb2: {  	v5 =	vadd.f32 v13, v6;
	v6 =	vadd.f32 v10, v7;
	v7 =	vpop (erf)  }
0xb3: {  	v8 =	vadd.f32 v11, v8;
	v7 =	vadd.f32 v7, v9  }
0xb4: {  	s0 =	simm.s32 @!p0 $0x1  }
0xb5: {  	_ =	swait.ge @!p0 [sflag:s0], $0xC300  }
0xb6: {  	[sflag:s0] =	ssyncset.done @!p0 $0x0  }
0xb7: {  	[sflag:s0] =	ssyncadd.s32 @!p0 $0xFFFF3D00  }
0xb8: {  	[tilespmem:s2], [sflag:$0x3] =	stream.strided.gather [hbm4b:s30+s16], $0xC300, s17, s16, $0x38;
	[tilespmem:$0x18A80] =	vst v63  }
0xb9: {  	_ =	swait.ge [sflag:s15], $0xC300  }
0xba: {  	[sflag:s15] =	ssyncset.done $0x0  }
0xbb: {  	s0 =	simm.s32 $0x20;
	[sflag:s15] =	ssyncadd.s32 $0xFFFF3D00  }
0xbc: {  	v10 =	vld [tilespmem:s0+$0xFFFFFFE0];
	_ =	sdelay $0x2  }
0xbd: {  	v9 =	vbroadcast v12, $0xF;
	v11 =	vld [tilespmem:s0+$0xFFFFFFF0]  }
0xbe: {  	v12 =	vimm.s32 $0x40000000  }
0xbf: {  	s3 =	simm.s32 $0x0;
	vm1 =	veq.s32 v12, $0x40000000;
	vm0 =	veq.f32 v10, v9  }
0xc0: {  	v13 =	vld [tilespmem:s0+$0x0];
	v10 =	vor.u32 s3, v0;
	vm0 =	vmand vm1, vm0  }
0xc1: {  	v10 =	vsel vm0, v10, v12  }
0xc2: {  	s21 =	simm.s32 $0x10;
	vm0 =	veq.f32 v11, v9;
	vm1 =	veq.s32 v10, $0x40000000  }
0xc3: {  	v11 =	vor.u32 s21, v0;
	vm0 =	vmand vm0, vm1  }
0xc4: {  	v14 =	vld [tilespmem:s0+$0x10];
	v10 =	vsel vm0, v11, v10  }
0xc5: {  	s21 =	simm.s32 $0x20;
	vm0 =	veq.f32 v13, v9;
	vm1 =	veq.s32 v10, $0x40000000  }
0xc6: {  	v11 =	vor.u32 s21, v0;
	vm0 =	vmand vm0, vm1  }
0xc7: {  	v12 =	vsel vm0, v11, v10;
	v11 =	vld [tilespmem:s0+$0x20];
	_ =	sdelay $0x1  }
0xc8: {  	s31 =	simm.s32 $0x70;
	s21 =	simm.s32 $0x30;
	vm0 =	veq.f32 v14, v9;
	vm1 =	veq.s32 v12, $0x40000000  }
0xc9: {  	s30 =	simm.s32 $0x90;
	s3 =	simm.s32 $0xE0;
	v13 =	vor.u32 s21, v0;
	s0 =	simm.s32 $0x40;
	v10 =	vld [tilespmem:s31+$0xFFFFFFE0];
	vm0 =	vmand vm0, vm1  }
.LBB2_9:
0xca: {  	p1 =	sne.s32 s3, $0xC2F0;
	v12 =	vsel vm0, v13, v12  }
0xcb: {  	vm0 =	veq.f32 v11, v9;
	vm1 =	veq.s32 v12, $0x40000000  }
0xcc: {  	v13 =	vor.u32 s0, v0;
	s0 =	smov.u32 s30;
	s30 =	smov.u32 s3;
	v11 =	vld [tilespmem:s31+$0xFFFFFFF0];
	vm0 =	vmand vm0, vm1  }
0xcd: {  	v12 =	vsel vm0, v13, v12  }
0xce: {  	s21 =	sadd.s32 $0xFFFFFFC0, s0;
	vm0 =	veq.f32 v10, v9;
	vm1 =	veq.s32 v12, $0x40000000  }
0xcf: {  	v10 =	vor.u32 s21, v0;
	vm0 =	vmand vm1, vm0;
	v13 =	vld [tilespmem:s31+$0x0]  }
0xd0: {  	v10 =	vsel vm0, v10, v12  }
0xd1: {  	s21 =	sadd.s32 $0xFFFFFFD0, s0;
	vm0 =	veq.f32 v11, v9;
	vm1 =	veq.s32 v10, $0x40000000  }
0xd2: {  	v11 =	vor.u32 s21, v0;
	vm0 =	vmand vm0, vm1;
	v14 =	vld [tilespmem:s31+$0x10]  }
0xd3: {  	v10 =	vsel vm0, v11, v10  }
.Ltmp7:
0xd4: {  	s21 =	sadd.s32 $0xFFFFFFE0, s0;
	vm0 =	veq.f32 v13, v9;
	vm1 =	veq.s32 v10, $0x40000000;
	(pc) =	sbr.rel @p1 .LBB2_9-.Ltmp7, $4  }
0xd5: {  	v12 =	vor.u32 s21, v0;
	vm0 =	vmand vm0, vm1;
	v11 =	vld [tilespmem:s31+$0x20]  }
0xd6: {  	v12 =	vsel vm0, v12, v10  }
0xd7: {  	s21 =	sadd.s32 $0xFFFFFFF0, s0;
	s31 =	sadd.s32 $0x50, s31;
	vm0 =	veq.f32 v14, v9;
	vm1 =	veq.s32 v12, $0x40000000  }
0xd8: {  	s3 =	sadd.s32 $0x50, s3;
	v13 =	vor.u32 s21, v0;
	v10 =	vld [tilespmem:s31+$0xFFFFFFE0];
	vm0 =	vmand vm0, vm1  }
0xd9: {  	v12 =	vsel vm0, v13, v12  }
0xda: {  	vm0 =	veq.f32 v11, v9;
	vm1 =	veq.s32 v12, $0x40000000  }
0xdb: {  	v13 =	vor.u32 s0, v0;
	v11 =	vld [tilespmem:s31+$0xFFFFFFF0];
	vm0 =	vmand vm0, vm1  }
0xdc: {  	v12 =	vsel vm0, v13, v12  }
0xdd: {  	s3 =	sadd.s32 $0xFFFFFFC0, s30;
	vm0 =	veq.f32 v10, v9;
	vm1 =	veq.s32 v12, $0x40000000  }
0xde: {  	v13 =	vld [tilespmem:s31+$0x0];
	v10 =	vor.u32 s3, v0;
	vm0 =	vmand vm1, vm0  }
0xdf: {  	v10 =	vsel vm0, v10, v12  }
0xe0: {  	s21 =	sadd.s32 $0xFFFFFFD0, s30;
	vm0 =	veq.f32 v11, v9;
	vm1 =	veq.s32 v10, $0x40000000  }
0xe1: {  	v11 =	vor.u32 s21, v0;
	v12 =	vld [tilespmem:s31+$0x10];
	vm0 =	vmand vm0, vm1  }
0xe2: {  	v10 =	vsel vm0, v11, v10  }
0xe3: {  	s3 =	sadd.s32 $0xFFFFFFE0, s30;
	vm0 =	veq.f32 v13, v9;
	vm1 =	veq.s32 v10, $0x40000000  }
0xe4: {  	v11 =	vor.u32 s3, v0;
	v13 =	vld [tilespmem:s31+$0x20];
	vm0 =	vmand vm0, vm1  }
0xe5: {  	v10 =	vsel vm0, v11, v10  }
0xe6: {  	s21 =	sadd.s32 $0xFFFFFFF0, s30;
	s3 =	simm.s32 $0xC320;
	vm0 =	veq.f32 v12, v9;
	vm1 =	veq.s32 v10, $0x40000000  }
0xe7: {  	v11 =	vor.u32 s21, v0;
	v12 =	vld [tilespmem:s3+$0xFFFFFFE0];
	vm0 =	vmand vm0, vm1  }
0xe8: {  	v10 =	vsel vm0, v11, v10  }
0xe9: {  	vm0 =	veq.f32 v13, v9;
	vm1 =	veq.s32 v10, $0x40000000  }
0xea: {  	v11 =	vor.u32 s30, v0;
	v13 =	vld [tilespmem:s3+$0xFFFFFFF0];
	vm0 =	vmand vm0, vm1  }
0xeb: {  	v10 =	vsel vm0, v11, v10  }
0xec: {  	s21 =	simm.s32 $0xC300;
	vm0 =	veq.f32 v12, v9;
	vm1 =	veq.s32 v10, $0x40000000  }
0xed: {  	v11 =	vor.u32 s21, v0;
	v12 =	vld [tilespmem:s3+$0x0];
	vm0 =	vmand vm1, vm0  }
0xee: {  	v10 =	vsel vm0, v11, v10  }
0xef: {  	s21 =	simm.s32 $0xC310;
	vm0 =	veq.f32 v13, v9;
	vm1 =	veq.s32 v10, $0x40000000  }
0xf0: {  	v11 =	vor.u32 s21, v0;
	vm0 =	vmand vm0, vm1  }
0xf1: {  	v13 =	vld [tilespmem:s3+$0x10];
	v10 =	vsel vm0, v11, v10  }
0xf2: {  	s21 =	simm.s32 $0xC320;
	vm0 =	veq.f32 v12, v9;
	vm1 =	veq.s32 v10, $0x40000000  }
0xf3: {  	v11 =	vor.u32 s21, v0;
	vm0 =	vmand vm0, vm1  }
0xf4: {  	v12 =	vsel vm0, v11, v10;
	v11 =	vld [tilespmem:s3+$0x20];
	_ =	sdelay $0x1  }
0xf5: {  	s31 =	simm.s32 $0xC370;
	s21 =	simm.s32 $0xC330;
	vm0 =	veq.f32 v13, v9;
	vm1 =	veq.s32 v12, $0x40000000  }
0xf6: {  	s0 =	simm.s32 $0xC340;
	s30 =	simm.s32 $0xC390;
	v10 =	vld [tilespmem:s31+$0xFFFFFFE0];
	s3 =	simm.s32 $0xC3E0;
	v13 =	vor.u32 s21, v0;
	vm0 =	vmand vm0, vm1  }
.LBB2_11:
0xf7: {  	p1 =	sne.s32 s3, $0x18690;
	v12 =	vsel vm0, v13, v12  }
0xf8: {  	vm0 =	veq.f32 v11, v9;
	vm1 =	veq.s32 v12, $0x40000000  }
0xf9: {  	v13 =	vor.u32 s0, v0;
	s0 =	smov.u32 s30;
	s30 =	smov.u32 s3;
	v11 =	vld [tilespmem:s31+$0xFFFFFFF0];
	vm0 =	vmand vm0, vm1  }
0xfa: {  	v12 =	vsel vm0, v13, v12  }
0xfb: {  	s21 =	sadd.s32 $0xFFFFFFC0, s0;
	vm0 =	veq.f32 v10, v9;
	vm1 =	veq.s32 v12, $0x40000000  }
0xfc: {  	v10 =	vor.u32 s21, v0;
	vm0 =	vmand vm1, vm0;
	v13 =	vld [tilespmem:s31+$0x0]  }
0xfd: {  	v10 =	vsel vm0, v10, v12  }
0xfe: {  	s21 =	sadd.s32 $0xFFFFFFD0, s0;
	vm0 =	veq.f32 v11, v9;
	vm1 =	veq.s32 v10, $0x40000000  }
0xff: {  	v11 =	vor.u32 s21, v0;
	vm0 =	vmand vm0, vm1;
	v14 =	vld [tilespmem:s31+$0x10]  }
0x100: {  	v10 =	vsel vm0, v11, v10  }
.Ltmp8:
0x101: {  	s21 =	sadd.s32 $0xFFFFFFE0, s0;
	vm0 =	veq.f32 v13, v9;
	vm1 =	veq.s32 v10, $0x40000000;
	(pc) =	sbr.rel @p1 .LBB2_11-.Ltmp8, $4  }
0x102: {  	v12 =	vor.u32 s21, v0;
	vm0 =	vmand vm0, vm1;
	v11 =	vld [tilespmem:s31+$0x20]  }
0x103: {  	v12 =	vsel vm0, v12, v10  }
0x104: {  	s21 =	sadd.s32 $0xFFFFFFF0, s0;
	s31 =	sadd.s32 $0x50, s31;
	vm0 =	veq.f32 v14, v9;
	vm1 =	veq.s32 v12, $0x40000000  }
0x105: {  	s3 =	sadd.s32 $0x50, s3;
	v13 =	vor.u32 s21, v0;
	v10 =	vld [tilespmem:s31+$0xFFFFFFE0];
	vm0 =	vmand vm0, vm1  }
0x106: {  	v12 =	vsel vm0, v13, v12  }
0x107: {  	vm5 =	veq.f32 v11, v9;
	vm1 =	veq.s32 v12, $0x40000000  }
0x108: {  	v60 =	vor.u32 s0, v0;
	v11 =	vld [tilespmem:s31+$0xFFFFFFF0];
	vm0 =	vmand vm5, vm1  }
0x109: {  	v12 =	vsel vm0, v60, v12  }
0x10a: {  	s21 =	sadd.s32 $0xFFFFFFC0, s30;
	vm6 =	veq.f32 v10, v9;
	vm7 =	veq.s32 v12, $0x40000000  }
0x10b: {  	v61 =	vld [tilespmem:s31+$0x0];
	v10 =	vor.u32 s21, v0;
	vm0 =	vmand vm7, vm6  }
0x10c: {  	v10 =	vsel vm0, v10, v12  }
0x10d: {  	s3 =	sadd.s32 $0xFFFFFFD0, s30;
	vm8 =	veq.f32 v11, v9;
	vm9 =	veq.s32 v10, $0x40000000  }
0x10e: {  	v62 =	vld [tilespmem:s31+$0x10];
	v11 =	vor.u32 s3, v0;
	vm0 =	vmand vm8, vm9  }
0x10f: {  	v10 =	vsel vm0, v11, v10  }
0x110: {  	s21 =	sadd.s32 $0xFFFFFFE0, s30;
	vm10 =	veq.f32 v61, v9;
	vm11 =	veq.s32 v10, $0x40000000  }
0x111: {  	v63 =	vld [tilespmem:s31+$0x20];
	v11 =	vor.u32 s21, v0;
	vm0 =	vmand vm10, vm11  }
0x112: {  	v10 =	vsel vm0, v11, v10  }
0x113: {  	s31 =	sadd.s32 $0xFFFFFFF0, s30;
	vm12 =	veq.f32 v62, v9;
	vm13 =	veq.s32 v10, $0x40000000  }
.Ltmp9:
0x114: {  	v11 =	vor.u32 s31, v0;
	vm0 =	vmand vm12, vm13;
	(pc) =	sbr.rel .LBB2_13-.Ltmp9, $4  }
0x115: {  	v10 =	vsel vm0, v11, v10  }
0x116: {  	vm14 =	veq.f32 v63, v9;
	vm15 =	veq.s32 v10, $0x40000000  }
0x117: {  	s0 =	simm.s32 @!p0 $0x80;
	s3 =	simm.s32 @!p0 $0x400;
	v9 =	vor.u32 s30, v0;
	s21 =	simm.s32 @!p0 $0x0;
	vm0 =	vmand vm14, vm15  }
0x118: {  	[tilespmem:s21], [sflag:$0x1] =	stream.strided.gather @!p0 [hbm4b:s29+s0], $0xC300, s3, s0, $0x38;
	v9 =	vsel vm0, v9, v10;
	[tilespmem:$0x18A80] =	vst v63  }
.LBB2_15:
0x119: {  	_ =	sfence.sel $0x180000  }
0x11a: {  	[bflag:$0x0] =	sbarrier.arrive $0xFFFF  }
0x11b: {  	_ =	strace $0x90000047  }
0x11c: {  	s0 =	stileid.u32;
	[bflag:$0x2] =	sbarrier.arrive $0xFFFF  }
0x11d: {  	p0 =	sne.s32 s0, $0x0;
	s0 =	rddreg [dreg:$0x2]  }
0x11e: {  	s0 =	sadd.s32 @!p0 $0x100000, s0  }
0x11f: {  	[sflag:s0] =	ssyncadd.tile.s32 @!p0 $0x1;
	_ =	shalt  }
.Lfunc_end2:
_tile_overlayer_lowered:
.L_overlay_start_2:
0x120: {  	(tag) =	ssettag $0x2  }
0x121: {  	s0 =	rddreg [dreg:$0x0];
	s2 =	stileid.u32  }
0x122: {  	s1 =	rddreg [dreg:$0x1];
	p0 =	sne.s32 s2, $0x0  }
0x123: {  	s3 =	rddreg [dreg:$0x2];
	[bflag:$0x3] =	sbarrier.arrive $0xFFFF;
	s2 =	simm.s32 @!p0 $0x1C03  }
0x124: {  	[timem:s3], [sflag:s2] =	dma.local @!p0 [hbm:s0], s1  }
0x125: {  	s0 =	simm.s32 @!p0 $0x3  }
0x126: {  	_ =	swait.ge @!p0 [sflag:s0], s1  }
0x127: {  	s1 =	ssub.s32 @!p0 $0x0, s1;
	[sflag:s0] =	ssyncset.done @!p0 $0x0  }
0x128: {  	[sflag:s0] =	ssyncadd.s32 @!p0 s1  }
0x129: {  	[bflag:$0x3] =	sbarrier.arrive $0xFFFF  }
0x12a: {  	_ =	shalt  }

</sc_bundles>
